<compile_context>
chip_gen: v7x
topology: tpu7x:2x2x1
jax: 0.10.2.dev20260603
libtpu: 0.0.44.dev20260713+nightly
codegen_flags: <defaults>
</compile_context>

<pallas_src>
import functools

import jax
import jax.numpy as jnp
import numpy as np
from jax import lax
from jax.experimental import pallas as pl
from jax.experimental.pallas import tpu as pltpu
from jax.experimental.pallas import tpu_sc as plsc

_BINS = 10
_NC, _NS, _L = 2, 16, 16
_NW = _NC * _NS
_H = 512
_RPW = _H // 2
_RPC = 16
_NCH = _RPW // _RPC
_CVEC = _RPC * _H // _L
_UNROLL = 4

_C_COEFS = (
    -0.23350831866264343, 0.2225949913263321, -88.02342987060547,
)
_K1 = float(np.float32(0.6931471805599453 / (1 << 23)))


def _ln(x):
    ix = lax.bitcast_convert_type(x, jnp.int32)
    y = ix.astype(jnp.float32) * _K1
    m = lax.bitcast_convert_type((ix & 0x007FFFFF) | 0x3F800000, jnp.float32)
    t = m - 1.0
    p = jnp.full((_L,), _C_COEFS[0], jnp.float32)
    for c in _C_COEFS[1:]:
        p = p * t + c
    return y + p


@functools.cache
def _build_partials_kernel():
    mesh = plsc.VectorSubcoreMesh(core_axis_name="c", subcore_axis_name="s")
    return pl.kernel(
        _ghm_partials,
        mesh=mesh,
        out_type=jax.ShapeDtypeStruct((_NW * 30 * _L,), jnp.float32),
        scratch_types=[
            pltpu.VMEM((_RPC, _H), jnp.float32),
            pltpu.VMEM((_RPC, _H), jnp.float32),
            pltpu.VMEM((_RPC, _H), jnp.float32),
            pltpu.VMEM((_RPC, _H), jnp.float32),
            pltpu.VMEM((_RPC, _H), jnp.float32),
            pltpu.VMEM((_RPC, _H), jnp.float32),
            pltpu.VMEM((_RPC, _H), jnp.float32),
            pltpu.VMEM((_RPC, _H), jnp.float32),
            pltpu.VMEM((10 * _L,), jnp.float32),
            pltpu.VMEM((10 * _L,), jnp.float32),
            pltpu.VMEM((10 * _L,), jnp.float32),
            pltpu.SemaphoreType.DMA,
            pltpu.SemaphoreType.DMA,
        ],
        compiler_params=pltpu.CompilerParams(
            needs_layout_passes=False, use_tc_tiling_on_sc=True),
    )


def _ghm_partials(pred_hbm, targ_hbm, out_hbm,
                  pa, pb, a0, b0, a1, b1, a2, b2, cacc, sacc, nacc,
                  semA, semB):
    cid = lax.axis_index("c")
    sid = lax.axis_index("s")
    wid = sid * _NC + cid
    batch = wid >> 1
    row0 = (wid & 1) * _RPW

    zero = jnp.zeros((_L,), jnp.float32)
    for r in range(10):
        cacc[pl.ds(r * _L, _L)] = zero
        sacc[pl.ds(r * _L, _L)] = zero
        nacc[pl.ds(r * _L, _L)] = zero

    lanes = lax.iota(jnp.int32, _L)
    one_f = jnp.ones((_L,), jnp.float32)

    def _srcs(c):
        r = row0 + c * _RPC
        return (pred_hbm.at[batch, 0, pl.ds(r, _RPC), :],
                targ_hbm.at[batch, 0, pl.ds(r, _RPC), :],
                targ_hbm.at[batch, 1, pl.ds(r, _RPC), :],
                targ_hbm.at[batch, 2, pl.ds(r, _RPC), :])

    def _issue(c, bufs, sem):
        for src, dst in zip(_srcs(c), bufs):
            pltpu.async_copy(src, dst, sem)

    def _drain(c, bufs, sem):
        for src, dst in zip(_srcs(c), bufs):
            pltpu.make_async_copy(src, dst, sem).wait()

    bufsA = (pa, a0, a1, a2)
    bufsB = (pb, b0, b1, b2)

    def _compute(bufs):
        pv, t0v, t1v, t2v = bufs

        @plsc.parallel_loop(0, _CVEC, 1, unroll=_UNROLL)
        def vec(v):
            row = v >> 5
            col = (v & 31) * _L
            s = pl.ds(col, _L)
            p = pv[row, s]
            x0 = t0v[row, s]
            x1 = t1v[row, s]
            x2 = t2v[row, s]
            om = 1.0 - x0
            om2 = om * om
            nw = om2 * om2
            g = jnp.abs(p * x1 - x2)
            valid = x1 > 0.0
            binv = (g * 10.0).astype(jnp.int32)
            posv = _ln(p) * x2
            negv = _ln(1.0 - p) * (x1 - x2) * nw
            idx = (binv << 4) + lanes
            plsc.addupdate_scatter(cacc, [idx], one_f, mask=valid)
            plsc.addupdate_scatter(sacc, [idx], posv, mask=valid)
            plsc.addupdate_scatter(nacc, [idx], negv, mask=valid)

    _issue(0, bufsA, semA)

    def step(k, _):
        c0 = 2 * k
        _issue(c0 + 1, bufsB, semB)
        _drain(c0, bufsA, semA)
        _compute(bufsA)

        @pl.when(k < _NCH // 2 - 1)
        def _():
            _issue(c0 + 2, bufsA, semA)

        _drain(c0 + 1, bufsB, semB)
        _compute(bufsB)
        return 0

    lax.fori_loop(0, _NCH // 2, step, 0)
    base = wid * 30 * _L
    pltpu.sync_copy(cacc, out_hbm.at[pl.ds(base, 10 * _L)])
    pltpu.sync_copy(sacc, out_hbm.at[pl.ds(base + 10 * _L, 10 * _L)])
    pltpu.sync_copy(nacc, out_hbm.at[pl.ds(base + 20 * _L, 10 * _L)])


def _combine_body(y_ref, o_ref):
    y = y_ref[...]
    counts = jnp.sum(y[0:10, :], axis=1)
    spos = jnp.sum(y[10:20, :], axis=1)
    sneg = jnp.sum(y[20:30, :], axis=1)
    tot = jnp.maximum(jnp.sum(counts), 1.0)
    has = counts > 0.0
    n = jnp.maximum(jnp.sum(has.astype(jnp.float32)), 1.0)
    denom = jnp.where(has, counts, 1.0)
    w = (tot / denom) / n
    pos_s = jnp.sum(jnp.where(has, w * spos, 0.0))
    neg_s = jnp.sum(jnp.where(has, w * sneg, 0.0))
    loss = -(pos_s + neg_s) / tot
    o_ref[...] = jnp.full((8, 128), loss, jnp.float32)


def kernel(pred, target):
    partials = _build_partials_kernel()(pred, target)
    y = partials.reshape(_NW, 30, _L).transpose(1, 0, 2).reshape(30, _NW * _L)
    out = pl.pallas_call(
        _combine_body,
        out_shape=jax.ShapeDtypeStruct((8, 128), jnp.float32),
    )(y)
    return out[0, 0]

# --- scband reference (transcript-rebuilt; emitter-appended) ---
"""Pipeline reference for scband-ghmcloss-2216203125374 (READ-ONLY COPY).

The authoritative reference and input builder live on the scoring server;
editing this copy changes nothing except your own understanding.
"""

import jax, jax.numpy as jnp
import numpy as np

BINS = 10
MOMENTUM = 0.0


def setup_inputs(seed: int = 0) -> dict:
    key = jax.random.key(seed)
    k1, k2 = jax.random.split(key)
    # pred must be strictly in (0,1) for log(pred) and log(1-pred)
    pred = jax.random.uniform(k1, (16, 1, 512, 512), dtype=jnp.float32, minval=1e-4, maxval=1.0 - 1e-4)
    target = jax.random.uniform(k2, (16, 3, 512, 512), dtype=jnp.float32)
    return {"pred": pred, "target": target}


def reference(pred, target):
    edges = [float(x) / BINS for x in range(BINS + 1)]
    edges[-1] += 1e-06
    weights = jnp.zeros_like(pred)
    pos_inds = target[:, 2:3, :, :]
    neg_inds = target[:, 1:2, :, :] - target[:, 2:3, :, :]
    neg_weights = jnp.power(1.0 - target[:, 0:1, :, :], 4)
    g = jnp.abs(jax.lax.stop_gradient(pred) * target[:, 1:2, :, :] - pos_inds)
    valid = target[:, 1:2, :, :] > 0
    tot = jnp.maximum(valid.astype(jnp.float32).sum(), 1.0)
    n = jnp.zeros((), dtype=jnp.int32)
    for i in range(BINS):
        inds = (g >= edges[i]) & (g < edges[i + 1]) & valid
        num_in_bin = inds.sum().astype(jnp.float32)
        has_bin = num_in_bin > 0
        denom = jnp.where(has_bin, num_in_bin, 1.0)
        # momentum == 0 path: weights[inds] = tot / num_in_bin
        weights = jnp.where(inds, tot / denom, weights)
        n = n + has_bin.astype(jnp.int32)
    weights = weights / jnp.maximum(n, 1)
    pos_loss = jnp.log(pred) * pos_inds * weights
    neg_loss = jnp.log(1.0 - pred) * neg_inds * neg_weights * weights
    num_pos = pos_inds.sum()
    pos_loss_s = pos_loss.sum()
    neg_loss_s = neg_loss.sum()
    loss = jnp.where(num_pos == 0, -neg_loss_s / tot, -(pos_loss_s + neg_loss_s) / tot)
    return loss

if __name__ == "__main__":
    import jax
    _d = setup_inputs()
    print(jax.jit(kernel)(*tuple(_d.values())))

</pallas_src>

<mosaic_0001>
#map = affine_map<(d0, d1) -> (0, 0, 0, 0)>
#map1 = affine_map<(d0, d1) -> (0)>
module attributes {stable_mosaic.version = 14 : i64} {
  func.func @_ghm_partials(%arg0: i32, %arg1: i32, %arg2: memref<16x1x512x512xf32, #tpu.memory_space<hbm>>, %arg3: memref<16x3x512x512xf32, #tpu.memory_space<hbm>>, %arg4: memref<15360xf32, #tpu.memory_space<hbm>>, %arg5: memref<16x512xf32, #tpu.memory_space<vmem>>, %arg6: memref<16x512xf32, #tpu.memory_space<vmem>>, %arg7: memref<16x512xf32, #tpu.memory_space<vmem>>, %arg8: memref<16x512xf32, #tpu.memory_space<vmem>>, %arg9: memref<16x512xf32, #tpu.memory_space<vmem>>, %arg10: memref<16x512xf32, #tpu.memory_space<vmem>>, %arg11: memref<16x512xf32, #tpu.memory_space<vmem>>, %arg12: memref<16x512xf32, #tpu.memory_space<vmem>>, %arg13: memref<160xf32, #tpu.memory_space<vmem>>, %arg14: memref<160xf32, #tpu.memory_space<vmem>>, %arg15: memref<160xf32, #tpu.memory_space<vmem>>, %arg16: memref<!tpu.dma_semaphore, #tpu.memory_space<semaphore_mem>>, %arg17: memref<!tpu.dma_semaphore, #tpu.memory_space<semaphore_mem>>) attributes {dimension_semantics = [#tpu.dimension_semantics<core_parallel>, #tpu.dimension_semantics<subcore_parallel>], iteration_bounds = array<i64: 2, 16>, scalar_prefetch = 0 : i64, scratch_operands = 13 : i64, tpu.core_type = #tpu.core_type<sc_vector_subcore>, window_params = [{transform_indices = #map}, {transform_indices = #map}, {transform_indices = #map1}]} {
    %mul3A = arith.constant 2 : i32
    %mul3A_0 = arith.muli %arg1, %mul3A : i32
    %add3A = arith.addi %mul3A_0, %arg0 : i32
    %shift_right_arithmetic3A = arith.constant 1 : i32
    %shift_right_arithmetic3A_1 = arith.shrsi %add3A, %shift_right_arithmetic3A : i32
    %and3A = arith.constant 1 : i32
    %and3A_2 = arith.andi %add3A, %and3A : i32
    %mul3A_3 = arith.constant 256 : i32
    %mul3A_4 = arith.muli %and3A_2, %mul3A_3 : i32
    %broadcast_in_dim3A = arith.constant 0.000000e+00 : f32
    %broadcast_in_dim3A_5 = vector.broadcast %broadcast_in_dim3A : f32 to vector<16xf32>
    %swap3A = arith.constant 0 : index
    %swap3A_6 = tpu.vector_load %arg13[%swap3A] {strides = array<i32>} : memref<160xf32, #tpu.memory_space<vmem>>, vector<16xf32>,
    tpu.vector_store %arg13[%swap3A], %broadcast_in_dim3A_5 {strides = array<i32>} : memref<160xf32, #tpu.memory_space<vmem>>, vector<16xf32>,
    %swap3A_7 = arith.constant 0 : index
    %swap3A_8 = tpu.vector_load %arg14[%swap3A_7] {strides = array<i32>} : memref<160xf32, #tpu.memory_space<vmem>>, vector<16xf32>,
    tpu.vector_store %arg14[%swap3A_7], %broadcast_in_dim3A_5 {strides = array<i32>} : memref<160xf32, #tpu.memory_space<vmem>>, vector<16xf32>,
    %swap3A_9 = arith.constant 0 : index
    %swap3A_10 = tpu.vector_load %arg15[%swap3A_9] {strides = array<i32>} : memref<160xf32, #tpu.memory_space<vmem>>, vector<16xf32>,
    tpu.vector_store %arg15[%swap3A_9], %broadcast_in_dim3A_5 {strides = array<i32>} : memref<160xf32, #tpu.memory_space<vmem>>, vector<16xf32>,
    %swap3A_11 = arith.constant 16 : index
    %swap3A_12 = tpu.vector_load %arg13[%swap3A_11] {strides = array<i32>} : memref<160xf32, #tpu.memory_space<vmem>>, vector<16xf32>,
    tpu.vector_store %arg13[%swap3A_11], %broadcast_in_dim3A_5 {strides = array<i32>} : memref<160xf32, #tpu.memory_space<vmem>>, vector<16xf32>,
    %swap3A_13 = arith.constant 16 : index
    %swap3A_14 = tpu.vector_load %arg14[%swap3A_13] {strides = array<i32>} : memref<160xf32, #tpu.memory_space<vmem>>, vector<16xf32>,
    tpu.vector_store %arg14[%swap3A_13], %broadcast_in_dim3A_5 {strides = array<i32>} : memref<160xf32, #tpu.memory_space<vmem>>, vector<16xf32>,
    %swap3A_15 = arith.constant 16 : index
    %swap3A_16 = tpu.vector_load %arg15[%swap3A_15] {strides = array<i32>} : memref<160xf32, #tpu.memory_space<vmem>>, vector<16xf32>,
    tpu.vector_store %arg15[%swap3A_15], %broadcast_in_dim3A_5 {strides = array<i32>} : memref<160xf32, #tpu.memory_space<vmem>>, vector<16xf32>,
    %swap3A_17 = arith.constant 32 : index
    %swap3A_18 = tpu.vector_load %arg13[%swap3A_17] {strides = array<i32>} : memref<160xf32, #tpu.memory_space<vmem>>, vector<16xf32>,
    tpu.vector_store %arg13[%swap3A_17], %broadcast_in_dim3A_5 {strides = array<i32>} : memref<160xf32, #tpu.memory_space<vmem>>, vector<16xf32>,
    %swap3A_19 = arith.constant 32 : index
    %swap3A_20 = tpu.vector_load %arg14[%swap3A_19] {strides = array<i32>} : memref<160xf32, #tpu.memory_space<vmem>>, vector<16xf32>,
    tpu.vector_store %arg14[%swap3A_19], %broadcast_in_dim3A_5 {strides = array<i32>} : memref<160xf32, #tpu.memory_space<vmem>>, vector<16xf32>,
    %swap3A_21 = arith.constant 32 : index
    %swap3A_22 = tpu.vector_load %arg15[%swap3A_21] {strides = array<i32>} : memref<160xf32, #tpu.memory_space<vmem>>, vector<16xf32>,
    tpu.vector_store %arg15[%swap3A_21], %broadcast_in_dim3A_5 {strides = array<i32>} : memref<160xf32, #tpu.memory_space<vmem>>, vector<16xf32>,
    %swap3A_23 = arith.constant 48 : index
    %swap3A_24 = tpu.vector_load %arg13[%swap3A_23] {strides = array<i32>} : memref<160xf32, #tpu.memory_space<vmem>>, vector<16xf32>,
    tpu.vector_store %arg13[%swap3A_23], %broadcast_in_dim3A_5 {strides = array<i32>} : memref<160xf32, #tpu.memory_space<vmem>>, vector<16xf32>,
    %swap3A_25 = arith.constant 48 : index
    %swap3A_26 = tpu.vector_load %arg14[%swap3A_25] {strides = array<i32>} : memref<160xf32, #tpu.memory_space<vmem>>, vector<16xf32>,
    tpu.vector_store %arg14[%swap3A_25], %broadcast_in_dim3A_5 {strides = array<i32>} : memref<160xf32, #tpu.memory_space<vmem>>, vector<16xf32>,
    %swap3A_27 = arith.constant 48 : index
    %swap3A_28 = tpu.vector_load %arg15[%swap3A_27] {strides = array<i32>} : memref<160xf32, #tpu.memory_space<vmem>>, vector<16xf32>,
    tpu.vector_store %arg15[%swap3A_27], %broadcast_in_dim3A_5 {strides = array<i32>} : memref<160xf32, #tpu.memory_space<vmem>>, vector<16xf32>,
    %swap3A_29 = arith.constant 64 : index
    %swap3A_30 = tpu.vector_load %arg13[%swap3A_29] {strides = array<i32>} : memref<160xf32, #tpu.memory_space<vmem>>, vector<16xf32>,
    tpu.vector_store %arg13[%swap3A_29], %broadcast_in_dim3A_5 {strides = array<i32>} : memref<160xf32, #tpu.memory_space<vmem>>, vector<16xf32>,
    %swap3A_31 = arith.constant 64 : index
    %swap3A_32 = tpu.vector_load %arg14[%swap3A_31] {strides = array<i32>} : memref<160xf32, #tpu.memory_space<vmem>>, vector<16xf32>,
    tpu.vector_store %arg14[%swap3A_31], %broadcast_in_dim3A_5 {strides = array<i32>} : memref<160xf32, #tpu.memory_space<vmem>>, vector<16xf32>,
    %swap3A_33 = arith.constant 64 : index
    %swap3A_34 = tpu.vector_load %arg15[%swap3A_33] {strides = array<i32>} : memref<160xf32, #tpu.memory_space<vmem>>, vector<16xf32>,
    tpu.vector_store %arg15[%swap3A_33], %broadcast_in_dim3A_5 {strides = array<i32>} : memref<160xf32, #tpu.memory_space<vmem>>, vector<16xf32>,
    %swap3A_35 = arith.constant 80 : index
    %swap3A_36 = tpu.vector_load %arg13[%swap3A_35] {strides = array<i32>} : memref<160xf32, #tpu.memory_space<vmem>>, vector<16xf32>,
    tpu.vector_store %arg13[%swap3A_35], %broadcast_in_dim3A_5 {strides = array<i32>} : memref<160xf32, #tpu.memory_space<vmem>>, vector<16xf32>,
    %swap3A_37 = arith.constant 80 : index
    %swap3A_38 = tpu.vector_load %arg14[%swap3A_37] {strides = array<i32>} : memref<160xf32, #tpu.memory_space<vmem>>, vector<16xf32>,
    tpu.vector_store %arg14[%swap3A_37], %broadcast_in_dim3A_5 {strides = array<i32>} : memref<160xf32, #tpu.memory_space<vmem>>, vector<16xf32>,
    %swap3A_39 = arith.constant 80 : index
    %swap3A_40 = tpu.vector_load %arg15[%swap3A_39] {strides = array<i32>} : memref<160xf32, #tpu.memory_space<vmem>>, vector<16xf32>,
    tpu.vector_store %arg15[%swap3A_39], %broadcast_in_dim3A_5 {strides = array<i32>} : memref<160xf32, #tpu.memory_space<vmem>>, vector<16xf32>,
    %swap3A_41 = arith.constant 96 : index
    %swap3A_42 = tpu.vector_load %arg13[%swap3A_41] {strides = array<i32>} : memref<160xf32, #tpu.memory_space<vmem>>, vector<16xf32>,
    tpu.vector_store %arg13[%swap3A_41], %broadcast_in_dim3A_5 {strides = array<i32>} : memref<160xf32, #tpu.memory_space<vmem>>, vector<16xf32>,
    %swap3A_43 = arith.constant 96 : index
    %swap3A_44 = tpu.vector_load %arg14[%swap3A_43] {strides = array<i32>} : memref<160xf32, #tpu.memory_space<vmem>>, vector<16xf32>,
    tpu.vector_store %arg14[%swap3A_43], %broadcast_in_dim3A_5 {strides = array<i32>} : memref<160xf32, #tpu.memory_space<vmem>>, vector<16xf32>,
    %swap3A_45 = arith.constant 96 : index
    %swap3A_46 = tpu.vector_load %arg15[%swap3A_45] {strides = array<i32>} : memref<160xf32, #tpu.memory_space<vmem>>, vector<16xf32>,
    tpu.vector_store %arg15[%swap3A_45], %broadcast_in_dim3A_5 {strides = array<i32>} : memref<160xf32, #tpu.memory_space<vmem>>, vector<16xf32>,
    %swap3A_47 = arith.constant 112 : index
    %swap3A_48 = tpu.vector_load %arg13[%swap3A_47] {strides = array<i32>} : memref<160xf32, #tpu.memory_space<vmem>>, vector<16xf32>,
    tpu.vector_store %arg13[%swap3A_47], %broadcast_in_dim3A_5 {strides = array<i32>} : memref<160xf32, #tpu.memory_space<vmem>>, vector<16xf32>,
    %swap3A_49 = arith.constant 112 : index
    %swap3A_50 = tpu.vector_load %arg14[%swap3A_49] {strides = array<i32>} : memref<160xf32, #tpu.memory_space<vmem>>, vector<16xf32>,
    tpu.vector_store %arg14[%swap3A_49], %broadcast_in_dim3A_5 {strides = array<i32>} : memref<160xf32, #tpu.memory_space<vmem>>, vector<16xf32>,
    %swap3A_51 = arith.constant 112 : index
    %swap3A_52 = tpu.vector_load %arg15[%swap3A_51] {strides = array<i32>} : memref<160xf32, #tpu.memory_space<vmem>>, vector<16xf32>,
    tpu.vector_store %arg15[%swap3A_51], %broadcast_in_dim3A_5 {strides = array<i32>} : memref<160xf32, #tpu.memory_space<vmem>>, vector<16xf32>,
    %swap3A_53 = arith.constant 128 : index
    %swap3A_54 = tpu.vector_load %arg13[%swap3A_53] {strides = array<i32>} : memref<160xf32, #tpu.memory_space<vmem>>, vector<16xf32>,
    tpu.vector_store %arg13[%swap3A_53], %broadcast_in_dim3A_5 {strides = array<i32>} : memref<160xf32, #tpu.memory_space<vmem>>, vector<16xf32>,
    %swap3A_55 = arith.constant 128 : index
    %swap3A_56 = tpu.vector_load %arg14[%swap3A_55] {strides = array<i32>} : memref<160xf32, #tpu.memory_space<vmem>>, vector<16xf32>,
    tpu.vector_store %arg14[%swap3A_55], %broadcast_in_dim3A_5 {strides = array<i32>} : memref<160xf32, #tpu.memory_space<vmem>>, vector<16xf32>,
    %swap3A_57 = arith.constant 128 : index
    %swap3A_58 = tpu.vector_load %arg15[%swap3A_57] {strides = array<i32>} : memref<160xf32, #tpu.memory_space<vmem>>, vector<16xf32>,
    tpu.vector_store %arg15[%swap3A_57], %broadcast_in_dim3A_5 {strides = array<i32>} : memref<160xf32, #tpu.memory_space<vmem>>, vector<16xf32>,
    %swap3A_59 = arith.constant 144 : index
    %swap3A_60 = tpu.vector_load %arg13[%swap3A_59] {strides = array<i32>} : memref<160xf32, #tpu.memory_space<vmem>>, vector<16xf32>,
    tpu.vector_store %arg13[%swap3A_59], %broadcast_in_dim3A_5 {strides = array<i32>} : memref<160xf32, #tpu.memory_space<vmem>>, vector<16xf32>,
    %swap3A_61 = arith.constant 144 : index
    %swap3A_62 = tpu.vector_load %arg14[%swap3A_61] {strides = array<i32>} : memref<160xf32, #tpu.memory_space<vmem>>, vector<16xf32>,
    tpu.vector_store %arg14[%swap3A_61], %broadcast_in_dim3A_5 {strides = array<i32>} : memref<160xf32, #tpu.memory_space<vmem>>, vector<16xf32>,
    %swap3A_63 = arith.constant 144 : index
    %swap3A_64 = tpu.vector_load %arg15[%swap3A_63] {strides = array<i32>} : memref<160xf32, #tpu.memory_space<vmem>>, vector<16xf32>,
    tpu.vector_store %arg15[%swap3A_63], %broadcast_in_dim3A_5 {strides = array<i32>} : memref<160xf32, #tpu.memory_space<vmem>>, vector<16xf32>,
    %iota3A = tpu.iota {dimensions = array<i32: 0>} : vector<16xi32>
    %broadcast_in_dim3A_65 = arith.constant 1.000000e+00 : f32
    %broadcast_in_dim3A_66 = vector.broadcast %broadcast_in_dim3A_65 : f32 to vector<16xf32>
    %add3A_67 = arith.constant 0 : i32
    %add3A_68 = arith.addi %mul3A_4, %add3A_67 : i32
    %dma_start3A = arith.constant 0 : i32
    %dma_start3A_69 = arith.constant 0 : i32
    %dma_start3A_70 = tpu.memref_slice %arg2[%shift_right_arithmetic3A_1, %dma_start3A, %add3A_68, %dma_start3A_69] : memref<16x1x512x512xf32, #tpu.memory_space<hbm>> -> memref<1x1x16x512xf32, #tpu.memory_space<hbm>>
    %dma_start3A_71 = tpu.memref_squeeze %dma_start3A_70 : memref<1x1x16x512xf32, #tpu.memory_space<hbm>> -> memref<16x512xf32, #tpu.memory_space<hbm>>
    %dma_start3A_72 = arith.constant 0 : i32
    %dma_start3A_73 = tpu.memref_slice %arg2[%shift_right_arithmetic3A_1, %dma_start3A, %add3A_68, %dma_start3A_72] : memref<16x1x512x512xf32, #tpu.memory_space<hbm>> -> memref<1x1x16x512xf32, #tpu.memory_space<hbm>>
    %dma_start3A_74 = tpu.memref_squeeze %dma_start3A_73 : memref<1x1x16x512xf32, #tpu.memory_space<hbm>> -> memref<16x512xf32, #tpu.memory_space<hbm>>
    tpu.enqueue_dma source(%dma_start3A_74 : memref<16x512xf32, #tpu.memory_space<hbm>>) target(%arg5 : memref<16x512xf32, #tpu.memory_space<vmem>>) target_semaphore(%arg16 : memref<!tpu.dma_semaphore, #tpu.memory_space<semaphore_mem>>)
    %dma_start3A_75 = arith.constant 0 : i32
    %dma_start3A_76 = arith.constant 0 : i32
    %dma_start3A_77 = tpu.memref_slice %arg3[%shift_right_arithmetic3A_1, %dma_start3A_75, %add3A_68, %dma_start3A_76] : memref<16x3x512x512xf32, #tpu.memory_space<hbm>> -> memref<1x1x16x512xf32, #tpu.memory_space<hbm>>
    %dma_start3A_78 = tpu.memref_squeeze %dma_start3A_77 : memref<1x1x16x512xf32, #tpu.memory_space<hbm>> -> memref<16x512xf32, #tpu.memory_space<hbm>>
    %dma_start3A_79 = arith.constant 0 : i32
    %dma_start3A_80 = tpu.memref_slice %arg3[%shift_right_arithmetic3A_1, %dma_start3A_75, %add3A_68, %dma_start3A_79] : memref<16x3x512x512xf32, #tpu.memory_space<hbm>> -> memref<1x1x16x512xf32, #tpu.memory_space<hbm>>
    %dma_start3A_81 = tpu.memref_squeeze %dma_start3A_80 : memref<1x1x16x512xf32, #tpu.memory_space<hbm>> -> memref<16x512xf32, #tpu.memory_space<hbm>>
    tpu.enqueue_dma source(%dma_start3A_81 : memref<16x512xf32, #tpu.memory_space<hbm>>) target(%arg7 : memref<16x512xf32, #tpu.memory_space<vmem>>) target_semaphore(%arg16 : memref<!tpu.dma_semaphore, #tpu.memory_space<semaphore_mem>>)
    %dma_start3A_82 = arith.constant 1 : i32
    %dma_start3A_83 = arith.constant 0 : i32
    %dma_start3A_84 = tpu.memref_slice %arg3[%shift_right_arithmetic3A_1, %dma_start3A_82, %add3A_68, %dma_start3A_83] : memref<16x3x512x512xf32, #tpu.memory_space<hbm>> -> memref<1x1x16x512xf32, #tpu.memory_space<hbm>>
    %dma_start3A_85 = tpu.memref_squeeze %dma_start3A_84 : memref<1x1x16x512xf32, #tpu.memory_space<hbm>> -> memref<16x512xf32, #tpu.memory_space<hbm>>
    %dma_start3A_86 = arith.constant 0 : i32
    %dma_start3A_87 = tpu.memref_slice %arg3[%shift_right_arithmetic3A_1, %dma_start3A_82, %add3A_68, %dma_start3A_86] : memref<16x3x512x512xf32, #tpu.memory_space<hbm>> -> memref<1x1x16x512xf32, #tpu.memory_space<hbm>>
    %dma_start3A_88 = tpu.memref_squeeze %dma_start3A_87 : memref<1x1x16x512xf32, #tpu.memory_space<hbm>> -> memref<16x512xf32, #tpu.memory_space<hbm>>
    tpu.enqueue_dma source(%dma_start3A_88 : memref<16x512xf32, #tpu.memory_space<hbm>>) target(%arg9 : memref<16x512xf32, #tpu.memory_space<vmem>>) target_semaphore(%arg16 : memref<!tpu.dma_semaphore, #tpu.memory_space<semaphore_mem>>)
    %dma_start3A_89 = arith.constant 2 : i32
    %dma_start3A_90 = arith.constant 0 : i32
    %dma_start3A_91 = tpu.memref_slice %arg3[%shift_right_arithmetic3A_1, %dma_start3A_89, %add3A_68, %dma_start3A_90] : memref<16x3x512x512xf32, #tpu.memory_space<hbm>> -> memref<1x1x16x512xf32, #tpu.memory_space<hbm>>
    %dma_start3A_92 = tpu.memref_squeeze %dma_start3A_91 : memref<1x1x16x512xf32, #tpu.memory_space<hbm>> -> memref<16x512xf32, #tpu.memory_space<hbm>>
    %dma_start3A_93 = arith.constant 0 : i32
    %dma_start3A_94 = tpu.memref_slice %arg3[%shift_right_arithmetic3A_1, %dma_start3A_89, %add3A_68, %dma_start3A_93] : memref<16x3x512x512xf32, #tpu.memory_space<hbm>> -> memref<1x1x16x512xf32, #tpu.memory_space<hbm>>
    %dma_start3A_95 = tpu.memref_squeeze %dma_start3A_94 : memref<1x1x16x512xf32, #tpu.memory_space<hbm>> -> memref<16x512xf32, #tpu.memory_space<hbm>>
    tpu.enqueue_dma source(%dma_start3A_95 : memref<16x512xf32, #tpu.memory_space<hbm>>) target(%arg11 : memref<16x512xf32, #tpu.memory_space<vmem>>) target_semaphore(%arg16 : memref<!tpu.dma_semaphore, #tpu.memory_space<semaphore_mem>>)
    %scan3A = arith.constant 0 : i32
    %scan3A_96 = arith.constant 0 : i32
    %scan3A_97 = arith.constant 8 : i32
    %scan3A_98 = arith.addi %scan3A_96, %scan3A_97 : i32
    %scan3A_99 = arith.constant 1 : i32
    %scan3A_100 = scf.for %scan3A_110 = %scan3A_96 to %scan3A_98 step %scan3A_99 iter_args(%scan3A_111 = %scan3A) -> (i32)  : i32 {
      %mul3A_112 = arith.constant 2 : i32
      %mul3A_113 = arith.muli %mul3A_112, %scan3A_110 : i32
      %add3A_114 = arith.constant 1 : i32
      %add3A_115 = arith.addi %mul3A_113, %add3A_114 : i32
      %mul3A_116 = arith.constant 16 : i32
      %mul3A_117 = arith.muli %add3A_115, %mul3A_116 : i32
      %add3A_118 = arith.addi %mul3A_4, %mul3A_117 : i32
      %dma_start3A_119 = arith.constant 0 : i32
      %dma_start3A_120 = arith.constant 0 : i32
      %dma_start3A_121 = tpu.memref_slice %arg2[%shift_right_arithmetic3A_1, %dma_start3A_119, %add3A_118, %dma_start3A_120] : memref<16x1x512x512xf32, #tpu.memory_space<hbm>> -> memref<1x1x16x512xf32, #tpu.memory_space<hbm>>
      %dma_start3A_122 = tpu.memref_squeeze %dma_start3A_121 : memref<1x1x16x512xf32, #tpu.memory_space<hbm>> -> memref<16x512xf32, #tpu.memory_space<hbm>>
      %dma_start3A_123 = arith.constant 0 : i32
      %dma_start3A_124 = tpu.memref_slice %arg2[%shift_right_arithmetic3A_1, %dma_start3A_119, %add3A_118, %dma_start3A_123] : memref<16x1x512x512xf32, #tpu.memory_space<hbm>> -> memref<1x1x16x512xf32, #tpu.memory_space<hbm>>
      %dma_start3A_125 = tpu.memref_squeeze %dma_start3A_124 : memref<1x1x16x512xf32, #tpu.memory_space<hbm>> -> memref<16x512xf32, #tpu.memory_space<hbm>>
      tpu.enqueue_dma source(%dma_start3A_125 : memref<16x512xf32, #tpu.memory_space<hbm>>) target(%arg6 : memref<16x512xf32, #tpu.memory_space<vmem>>) target_semaphore(%arg17 : memref<!tpu.dma_semaphore, #tpu.memory_space<semaphore_mem>>)
      %dma_start3A_126 = arith.constant 0 : i32
      %dma_start3A_127 = arith.constant 0 : i32
      %dma_start3A_128 = tpu.memref_slice %arg3[%shift_right_arithmetic3A_1, %dma_start3A_126, %add3A_118, %dma_start3A_127] : memref<16x3x512x512xf32, #tpu.memory_space<hbm>> -> memref<1x1x16x512xf32, #tpu.memory_space<hbm>>
      %dma_start3A_129 = tpu.memref_squeeze %dma_start3A_128 : memref<1x1x16x512xf32, #tpu.memory_space<hbm>> -> memref<16x512xf32, #tpu.memory_space<hbm>>
      %dma_start3A_130 = arith.constant 0 : i32
      %dma_start3A_131 = tpu.memref_slice %arg3[%shift_right_arithmetic3A_1, %dma_start3A_126, %add3A_118, %dma_start3A_130] : memref<16x3x512x512xf32, #tpu.memory_space<hbm>> -> memref<1x1x16x512xf32, #tpu.memory_space<hbm>>
      %dma_start3A_132 = tpu.memref_squeeze %dma_start3A_131 : memref<1x1x16x512xf32, #tpu.memory_space<hbm>> -> memref<16x512xf32, #tpu.memory_space<hbm>>
      tpu.enqueue_dma source(%dma_start3A_132 : memref<16x512xf32, #tpu.memory_space<hbm>>) target(%arg8 : memref<16x512xf32, #tpu.memory_space<vmem>>) target_semaphore(%arg17 : memref<!tpu.dma_semaphore, #tpu.memory_space<semaphore_mem>>)
      %dma_start3A_133 = arith.constant 1 : i32
      %dma_start3A_134 = arith.constant 0 : i32
      %dma_start3A_135 = tpu.memref_slice %arg3[%shift_right_arithmetic3A_1, %dma_start3A_133, %add3A_118, %dma_start3A_134] : memref<16x3x512x512xf32, #tpu.memory_space<hbm>> -> memref<1x1x16x512xf32, #tpu.memory_space<hbm>>
      %dma_start3A_136 = tpu.memref_squeeze %dma_start3A_135 : memref<1x1x16x512xf32, #tpu.memory_space<hbm>> -> memref<16x512xf32, #tpu.memory_space<hbm>>
      %dma_start3A_137 = arith.constant 0 : i32
      %dma_start3A_138 = tpu.memref_slice %arg3[%shift_right_arithmetic3A_1, %dma_start3A_133, %add3A_118, %dma_start3A_137] : memref<16x3x512x512xf32, #tpu.memory_space<hbm>> -> memref<1x1x16x512xf32, #tpu.memory_space<hbm>>
      %dma_start3A_139 = tpu.memref_squeeze %dma_start3A_138 : memref<1x1x16x512xf32, #tpu.memory_space<hbm>> -> memref<16x512xf32, #tpu.memory_space<hbm>>
      tpu.enqueue_dma source(%dma_start3A_139 : memref<16x512xf32, #tpu.memory_space<hbm>>) target(%arg10 : memref<16x512xf32, #tpu.memory_space<vmem>>) target_semaphore(%arg17 : memref<!tpu.dma_semaphore, #tpu.memory_space<semaphore_mem>>)
      %dma_start3A_140 = arith.constant 2 : i32
      %dma_start3A_141 = arith.constant 0 : i32
      %dma_start3A_142 = tpu.memref_slice %arg3[%shift_right_arithmetic3A_1, %dma_start3A_140, %add3A_118, %dma_start3A_141] : memref<16x3x512x512xf32, #tpu.memory_space<hbm>> -> memref<1x1x16x512xf32, #tpu.memory_space<hbm>>
      %dma_start3A_143 = tpu.memref_squeeze %dma_start3A_142 : memref<1x1x16x512xf32, #tpu.memory_space<hbm>> -> memref<16x512xf32, #tpu.memory_space<hbm>>
      %dma_start3A_144 = arith.constant 0 : i32
      %dma_start3A_145 = tpu.memref_slice %arg3[%shift_right_arithmetic3A_1, %dma_start3A_140, %add3A_118, %dma_start3A_144] : memref<16x3x512x512xf32, #tpu.memory_space<hbm>> -> memref<1x1x16x512xf32, #tpu.memory_space<hbm>>
      %dma_start3A_146 = tpu.memref_squeeze %dma_start3A_145 : memref<1x1x16x512xf32, #tpu.memory_space<hbm>> -> memref<16x512xf32, #tpu.memory_space<hbm>>
      tpu.enqueue_dma source(%dma_start3A_146 : memref<16x512xf32, #tpu.memory_space<hbm>>) target(%arg12 : memref<16x512xf32, #tpu.memory_space<vmem>>) target_semaphore(%arg17 : memref<!tpu.dma_semaphore, #tpu.memory_space<semaphore_mem>>)
      %mul3A_147 = arith.constant 16 : i32
      %mul3A_148 = arith.muli %mul3A_113, %mul3A_147 : i32
      %add3A_149 = arith.addi %mul3A_4, %mul3A_148 : i32
      %dma_wait3A = arith.constant 0 : i32
      %dma_wait3A_150 = arith.constant 0 : i32
      %dma_wait3A_151 = tpu.memref_slice %arg2[%shift_right_arithmetic3A_1, %dma_wait3A, %add3A_149, %dma_wait3A_150] : memref<16x1x512x512xf32, #tpu.memory_space<hbm>> -> memref<1x1x16x512xf32, #tpu.memory_space<hbm>>
      %dma_wait3A_152 = tpu.memref_squeeze %dma_wait3A_151 : memref<1x1x16x512xf32, #tpu.memory_space<hbm>> -> memref<16x512xf32, #tpu.memory_space<hbm>>
      %dma_wait3A_153 = arith.constant 0 : i32
      %dma_wait3A_154 = tpu.memref_slice %arg2[%shift_right_arithmetic3A_1, %dma_wait3A, %add3A_149, %dma_wait3A_153] : memref<16x1x512x512xf32, #tpu.memory_space<hbm>> -> memref<1x1x16x512xf32, #tpu.memory_space<hbm>>
      %dma_wait3A_155 = tpu.memref_squeeze %dma_wait3A_154 : memref<1x1x16x512xf32, #tpu.memory_space<hbm>> -> memref<16x512xf32, #tpu.memory_space<hbm>>
      tpu.wait_dma2 semaphore(%arg16 : memref<!tpu.dma_semaphore, #tpu.memory_space<semaphore_mem>>) src(%dma_wait3A_155 : memref<16x512xf32, #tpu.memory_space<hbm>>) dst(%arg5 : memref<16x512xf32, #tpu.memory_space<vmem>>)
      %dma_wait3A_156 = arith.constant 0 : i32
      %dma_wait3A_157 = arith.constant 0 : i32
      %dma_wait3A_158 = tpu.memref_slice %arg3[%shift_right_arithmetic3A_1, %dma_wait3A_156, %add3A_149, %dma_wait3A_157] : memref<16x3x512x512xf32, #tpu.memory_space<hbm>> -> memref<1x1x16x512xf32, #tpu.memory_space<hbm>>
      %dma_wait3A_159 = tpu.memref_squeeze %dma_wait3A_158 : memref<1x1x16x512xf32, #tpu.memory_space<hbm>> -> memref<16x512xf32, #tpu.memory_space<hbm>>
      %dma_wait3A_160 = arith.constant 0 : i32
      %dma_wait3A_161 = tpu.memref_slice %arg3[%shift_right_arithmetic3A_1, %dma_wait3A_156, %add3A_149, %dma_wait3A_160] : memref<16x3x512x512xf32, #tpu.memory_space<hbm>> -> memref<1x1x16x512xf32, #tpu.memory_space<hbm>>
      %dma_wait3A_162 = tpu.memref_squeeze %dma_wait3A_161 : memref<1x1x16x512xf32, #tpu.memory_space<hbm>> -> memref<16x512xf32, #tpu.memory_space<hbm>>
      tpu.wait_dma2 semaphore(%arg16 : memref<!tpu.dma_semaphore, #tpu.memory_space<semaphore_mem>>) src(%dma_wait3A_162 : memref<16x512xf32, #tpu.memory_space<hbm>>) dst(%arg7 : memref<16x512xf32, #tpu.memory_space<vmem>>)
      %dma_wait3A_163 = arith.constant 1 : i32
      %dma_wait3A_164 = arith.constant 0 : i32
      %dma_wait3A_165 = tpu.memref_slice %arg3[%shift_right_arithmetic3A_1, %dma_wait3A_163, %add3A_149, %dma_wait3A_164] : memref<16x3x512x512xf32, #tpu.memory_space<hbm>> -> memref<1x1x16x512xf32, #tpu.memory_space<hbm>>
      %dma_wait3A_166 = tpu.memref_squeeze %dma_wait3A_165 : memref<1x1x16x512xf32, #tpu.memory_space<hbm>> -> memref<16x512xf32, #tpu.memory_space<hbm>>
      %dma_wait3A_167 = arith.constant 0 : i32
      %dma_wait3A_168 = tpu.memref_slice %arg3[%shift_right_arithmetic3A_1, %dma_wait3A_163, %add3A_149, %dma_wait3A_167] : memref<16x3x512x512xf32, #tpu.memory_space<hbm>> -> memref<1x1x16x512xf32, #tpu.memory_space<hbm>>
      %dma_wait3A_169 = tpu.memref_squeeze %dma_wait3A_168 : memref<1x1x16x512xf32, #tpu.memory_space<hbm>> -> memref<16x512xf32, #tpu.memory_space<hbm>>
      tpu.wait_dma2 semaphore(%arg16 : memref<!tpu.dma_semaphore, #tpu.memory_space<semaphore_mem>>) src(%dma_wait3A_169 : memref<16x512xf32, #tpu.memory_space<hbm>>) dst(%arg9 : memref<16x512xf32, #tpu.memory_space<vmem>>)
      %dma_wait3A_170 = arith.constant 2 : i32
      %dma_wait3A_171 = arith.constant 0 : i32
      %dma_wait3A_172 = tpu.memref_slice %arg3[%shift_right_arithmetic3A_1, %dma_wait3A_170, %add3A_149, %dma_wait3A_171] : memref<16x3x512x512xf32, #tpu.memory_space<hbm>> -> memref<1x1x16x512xf32, #tpu.memory_space<hbm>>
      %dma_wait3A_173 = tpu.memref_squeeze %dma_wait3A_172 : memref<1x1x16x512xf32, #tpu.memory_space<hbm>> -> memref<16x512xf32, #tpu.memory_space<hbm>>
      %dma_wait3A_174 = arith.constant 0 : i32
      %dma_wait3A_175 = tpu.memref_slice %arg3[%shift_right_arithmetic3A_1, %dma_wait3A_170, %add3A_149, %dma_wait3A_174] : memref<16x3x512x512xf32, #tpu.memory_space<hbm>> -> memref<1x1x16x512xf32, #tpu.memory_space<hbm>>
      %dma_wait3A_176 = tpu.memref_squeeze %dma_wait3A_175 : memref<1x1x16x512xf32, #tpu.memory_space<hbm>> -> memref<16x512xf32, #tpu.memory_space<hbm>>
      tpu.wait_dma2 semaphore(%arg16 : memref<!tpu.dma_semaphore, #tpu.memory_space<semaphore_mem>>) src(%dma_wait3A_176 : memref<16x512xf32, #tpu.memory_space<hbm>>) dst(%arg11 : memref<16x512xf32, #tpu.memory_space<vmem>>)
      %parallel_loop3A = arith.constant 0 : i32
      %parallel_loop3A_177 = arith.constant 512 : i32
      %parallel_loop3A_178 = arith.constant 1 : i32
      scf.for %parallel_loop3A_218 = %parallel_loop3A to %parallel_loop3A_177 step %parallel_loop3A_178  : i32 {
        %parallel_loop3A_219 = arith.constant 5 : i32
        %parallel_loop3A_220 = arith.shrsi %parallel_loop3A_218, %parallel_loop3A_219 : i32
        %parallel_loop3A_221 = arith.constant 31 : i32
        %parallel_loop3A_222 = arith.andi %parallel_loop3A_218, %parallel_loop3A_221 : i32
        %parallel_loop3A_223 = arith.constant 16 : i32
        %parallel_loop3A_224 = arith.muli %parallel_loop3A_222, %parallel_loop3A_223 : i32
        %parallel_loop3A_225 = arith.index_cast %parallel_loop3A_220 : i32 to index
        %parallel_loop3A_226 = arith.index_cast %parallel_loop3A_224 : i32 to index
        %parallel_loop3A_227 = tpu.vector_load %arg5[%parallel_loop3A_225, %parallel_loop3A_226] {strides = array<i32>} : memref<16x512xf32, #tpu.memory_space<vmem>>, vector<16xf32>,
        %parallel_loop3A_228 = arith.index_cast %parallel_loop3A_220 : i32 to index
        %parallel_loop3A_229 = arith.index_cast %parallel_loop3A_224 : i32 to index
        %parallel_loop3A_230 = tpu.vector_load %arg7[%parallel_loop3A_228, %parallel_loop3A_229] {strides = array<i32>} : memref<16x512xf32, #tpu.memory_space<vmem>>, vector<16xf32>,
        %parallel_loop3A_231 = arith.index_cast %parallel_loop3A_220 : i32 to index
        %parallel_loop3A_232 = arith.index_cast %parallel_loop3A_224 : i32 to index
        %parallel_loop3A_233 = tpu.vector_load %arg9[%parallel_loop3A_231, %parallel_loop3A_232] {strides = array<i32>} : memref<16x512xf32, #tpu.memory_space<vmem>>, vector<16xf32>,
        %parallel_loop3A_234 = arith.index_cast %parallel_loop3A_220 : i32 to index
        %parallel_loop3A_235 = arith.index_cast %parallel_loop3A_224 : i32 to index
        %parallel_loop3A_236 = tpu.vector_load %arg11[%parallel_loop3A_234, %parallel_loop3A_235] {strides = array<i32>} : memref<16x512xf32, #tpu.memory_space<vmem>>, vector<16xf32>,
        %parallel_loop3A_237 = arith.constant 1.000000e+00 : f32
        %parallel_loop3A_238 = vector.broadcast %parallel_loop3A_237 : f32 to vector<16xf32>
        %parallel_loop3A_239 = arith.subf %parallel_loop3A_238, %parallel_loop3A_230 : vector<16xf32>
        %parallel_loop3A_240 = arith.mulf %parallel_loop3A_239, %parallel_loop3A_239 : vector<16xf32>
        %parallel_loop3A_241 = arith.mulf %parallel_loop3A_240, %parallel_loop3A_240 : vector<16xf32>
        %parallel_loop3A_242 = arith.mulf %parallel_loop3A_227, %parallel_loop3A_233 : vector<16xf32>
        %parallel_loop3A_243 = arith.subf %parallel_loop3A_242, %parallel_loop3A_236 : vector<16xf32>
        %parallel_loop3A_244 = math.absf %parallel_loop3A_243 : vector<16xf32>
        %parallel_loop3A_245 = arith.constant 0.000000e+00 : f32
        %parallel_loop3A_246 = vector.broadcast %parallel_loop3A_245 : f32 to vector<16xf32>
        %parallel_loop3A_247 = arith.cmpf ogt, %parallel_loop3A_233, %parallel_loop3A_246 : vector<16xf32>
        %parallel_loop3A_248 = arith.constant 1.000000e+01 : f32
        %parallel_loop3A_249 = vector.broadcast %parallel_loop3A_248 : f32 to vector<16xf32>
        %parallel_loop3A_250 = arith.mulf %parallel_loop3A_244, %parallel_loop3A_249 : vector<16xf32>
        %parallel_loop3A_251 = arith.fptosi %parallel_loop3A_250 : vector<16xf32> to vector<16xi32>
        %parallel_loop3A_252 = tpu.bitcast %parallel_loop3A_227 : vector<16xf32> -> vector<16xi32>
        %parallel_loop3A_253 = arith.sitofp %parallel_loop3A_252 : vector<16xi32> to vector<16xf32>
        %parallel_loop3A_254 = arith.constant 8.26295832E-8 : f32
        %parallel_loop3A_255 = vector.broadcast %parallel_loop3A_254 : f32 to vector<16xf32>
        %parallel_loop3A_256 = arith.mulf %parallel_loop3A_253, %parallel_loop3A_255 : vector<16xf32>
        %parallel_loop3A_257 = arith.constant 8388607 : i32
        %parallel_loop3A_258 = vector.broadcast %parallel_loop3A_257 : i32 to vector<16xi32>
        %parallel_loop3A_259 = arith.andi %parallel_loop3A_252, %parallel_loop3A_258 : vector<16xi32>
        %parallel_loop3A_260 = arith.constant 1065353216 : i32
        %parallel_loop3A_261 = vector.broadcast %parallel_loop3A_260 : i32 to vector<16xi32>
        %parallel_loop3A_262 = arith.ori %parallel_loop3A_259, %parallel_loop3A_261 : vector<16xi32>
        %parallel_loop3A_263 = tpu.bitcast %parallel_loop3A_262 : vector<16xi32> -> vector<16xf32>
        %parallel_loop3A_264 = arith.constant 1.000000e+00 : f32
        %parallel_loop3A_265 = vector.broadcast %parallel_loop3A_264 : f32 to vector<16xf32>
        %parallel_loop3A_266 = arith.subf %parallel_loop3A_263, %parallel_loop3A_265 : vector<16xf32>
        %parallel_loop3A_267 = arith.constant -0.233508319 : f32
        %parallel_loop3A_268 = vector.broadcast %parallel_loop3A_267 : f32 to vector<16xf32>
        %parallel_loop3A_269 = arith.mulf %parallel_loop3A_268, %parallel_loop3A_266 : vector<16xf32>
        %parallel_loop3A_270 = arith.constant 0.222594991 : f32
        %parallel_loop3A_271 = vector.broadcast %parallel_loop3A_270 : f32 to vector<16xf32>
        %parallel_loop3A_272 = arith.addf %parallel_loop3A_269, %parallel_loop3A_271 : vector<16xf32>
        %parallel_loop3A_273 = arith.mulf %parallel_loop3A_272, %parallel_loop3A_266 : vector<16xf32>
        %parallel_loop3A_274 = arith.constant -88.0234299 : f32
        %parallel_loop3A_275 = vector.broadcast %parallel_loop3A_274 : f32 to vector<16xf32>
        %parallel_loop3A_276 = arith.addf %parallel_loop3A_273, %parallel_loop3A_275 : vector<16xf32>
        %parallel_loop3A_277 = arith.addf %parallel_loop3A_256, %parallel_loop3A_276 : vector<16xf32>
        %parallel_loop3A_278 = arith.mulf %parallel_loop3A_277, %parallel_loop3A_236 : vector<16xf32>
        %parallel_loop3A_279 = arith.constant 1.000000e+00 : f32
        %parallel_loop3A_280 = vector.broadcast %parallel_loop3A_279 : f32 to vector<16xf32>
        %parallel_loop3A_281 = arith.subf %parallel_loop3A_280, %parallel_loop3A_227 : vector<16xf32>
        %parallel_loop3A_282 = tpu.bitcast %parallel_loop3A_281 : vector<16xf32> -> vector<16xi32>
        %parallel_loop3A_283 = arith.sitofp %parallel_loop3A_282 : vector<16xi32> to vector<16xf32>
        %parallel_loop3A_284 = arith.constant 8.26295832E-8 : f32
        %parallel_loop3A_285 = vector.broadcast %parallel_loop3A_284 : f32 to vector<16xf32>
        %parallel_loop3A_286 = arith.mulf %parallel_loop3A_283, %parallel_loop3A_285 : vector<16xf32>
        %parallel_loop3A_287 = arith.constant 8388607 : i32
        %parallel_loop3A_288 = vector.broadcast %parallel_loop3A_287 : i32 to vector<16xi32>
        %parallel_loop3A_289 = arith.andi %parallel_loop3A_282, %parallel_loop3A_288 : vector<16xi32>
        %parallel_loop3A_290 = arith.constant 1065353216 : i32
        %parallel_loop3A_291 = vector.broadcast %parallel_loop3A_290 : i32 to vector<16xi32>
        %parallel_loop3A_292 = arith.ori %parallel_loop3A_289, %parallel_loop3A_291 : vector<16xi32>
        %parallel_loop3A_293 = tpu.bitcast %parallel_loop3A_292 : vector<16xi32> -> vector<16xf32>
        %parallel_loop3A_294 = arith.constant 1.000000e+00 : f32
        %parallel_loop3A_295 = vector.broadcast %parallel_loop3A_294 : f32 to vector<16xf32>
        %parallel_loop3A_296 = arith.subf %parallel_loop3A_293, %parallel_loop3A_295 : vector<16xf32>
        %parallel_loop3A_297 = arith.constant -0.233508319 : f32
        %parallel_loop3A_298 = vector.broadcast %parallel_loop3A_297 : f32 to vector<16xf32>
        %parallel_loop3A_299 = arith.mulf %parallel_loop3A_298, %parallel_loop3A_296 : vector<16xf32>
        %parallel_loop3A_300 = arith.constant 0.222594991 : f32
        %parallel_loop3A_301 = vector.broadcast %parallel_loop3A_300 : f32 to vector<16xf32>
        %parallel_loop3A_302 = arith.addf %parallel_loop3A_299, %parallel_loop3A_301 : vector<16xf32>
        %parallel_loop3A_303 = arith.mulf %parallel_loop3A_302, %parallel_loop3A_296 : vector<16xf32>
        %parallel_loop3A_304 = arith.constant -88.0234299 : f32
        %parallel_loop3A_305 = vector.broadcast %parallel_loop3A_304 : f32 to vector<16xf32>
        %parallel_loop3A_306 = arith.addf %parallel_loop3A_303, %parallel_loop3A_305 : vector<16xf32>
        %parallel_loop3A_307 = arith.addf %parallel_loop3A_286, %parallel_loop3A_306 : vector<16xf32>
        %parallel_loop3A_308 = arith.subf %parallel_loop3A_233, %parallel_loop3A_236 : vector<16xf32>
        %parallel_loop3A_309 = arith.mulf %parallel_loop3A_307, %parallel_loop3A_308 : vector<16xf32>
        %parallel_loop3A_310 = arith.mulf %parallel_loop3A_309, %parallel_loop3A_241 : vector<16xf32>
        %parallel_loop3A_311 = arith.constant 4 : i32
        %parallel_loop3A_312 = vector.broadcast %parallel_loop3A_311 : i32 to vector<16xi32>
        %parallel_loop3A_313 = arith.shli %parallel_loop3A_251, %parallel_loop3A_312 : vector<16xi32>
        %parallel_loop3A_314 = arith.addi %parallel_loop3A_313, %iota3A : vector<16xi32>
        tpu.vector_store_idx %arg13[%parallel_loop3A_314], %broadcast_in_dim3A_66 masked %parallel_loop3A_247 {add = true} : memref<160xf32, #tpu.memory_space<vmem>>[vector<16xi32>], vector<16xf32>, vector<16xi1>
        tpu.vector_store_idx %arg14[%parallel_loop3A_314], %parallel_loop3A_278 masked %parallel_loop3A_247 {add = true} : memref<160xf32, #tpu.memory_space<vmem>>[vector<16xi32>], vector<16xf32>, vector<16xi1>
        tpu.vector_store_idx %arg15[%parallel_loop3A_314], %parallel_loop3A_310 masked %parallel_loop3A_247 {add = true} : memref<160xf32, #tpu.memory_space<vmem>>[vector<16xi32>], vector<16xf32>, vector<16xi1>
      } {sc.loop_unroll_factor = 4 : i64, sc.parallel_access}
      %lt3A = arith.constant 7 : i32
      %lt3A_179 = arith.cmpi slt, %scan3A_110, %lt3A : i32
      %convert_element_type3A = arith.extui %lt3A_179 : i1 to i32
      %cond3A = arith.constant 0 : i32
      %cond3A_180 = arith.cmpi ne, %convert_element_type3A, %cond3A : i32
      scf.if %cond3A_180 {
        %add3A_218 = arith.constant 2 : i32
        %add3A_219 = arith.addi %mul3A_113, %add3A_218 : i32
        %mul3A_220 = arith.constant 16 : i32
        %mul3A_221 = arith.muli %add3A_219, %mul3A_220 : i32
        %add3A_222 = arith.addi %mul3A_4, %mul3A_221 : i32
        %dma_start3A_223 = arith.constant 0 : i32
        %dma_start3A_224 = arith.constant 0 : i32
        %dma_start3A_225 = tpu.memref_slice %arg2[%shift_right_arithmetic3A_1, %dma_start3A_223, %add3A_222, %dma_start3A_224] : memref<16x1x512x512xf32, #tpu.memory_space<hbm>> -> memref<1x1x16x512xf32, #tpu.memory_space<hbm>>
        %dma_start3A_226 = tpu.memref_squeeze %dma_start3A_225 : memref<1x1x16x512xf32, #tpu.memory_space<hbm>> -> memref<16x512xf32, #tpu.memory_space<hbm>>
        %dma_start3A_227 = arith.constant 0 : i32
        %dma_start3A_228 = tpu.memref_slice %arg2[%shift_right_arithmetic3A_1, %dma_start3A_223, %add3A_222, %dma_start3A_227] : memref<16x1x512x512xf32, #tpu.memory_space<hbm>> -> memref<1x1x16x512xf32, #tpu.memory_space<hbm>>
        %dma_start3A_229 = tpu.memref_squeeze %dma_start3A_228 : memref<1x1x16x512xf32, #tpu.memory_space<hbm>> -> memref<16x512xf32, #tpu.memory_space<hbm>>
        tpu.enqueue_dma source(%dma_start3A_229 : memref<16x512xf32, #tpu.memory_space<hbm>>) target(%arg5 : memref<16x512xf32, #tpu.memory_space<vmem>>) target_semaphore(%arg16 : memref<!tpu.dma_semaphore, #tpu.memory_space<semaphore_mem>>)
        %dma_start3A_230 = arith.constant 0 : i32
        %dma_start3A_231 = arith.constant 0 : i32
        %dma_start3A_232 = tpu.memref_slice %arg3[%shift_right_arithmetic3A_1, %dma_start3A_230, %add3A_222, %dma_start3A_231] : memref<16x3x512x512xf32, #tpu.memory_space<hbm>> -> memref<1x1x16x512xf32, #tpu.memory_space<hbm>>
        %dma_start3A_233 = tpu.memref_squeeze %dma_start3A_232 : memref<1x1x16x512xf32, #tpu.memory_space<hbm>> -> memref<16x512xf32, #tpu.memory_space<hbm>>
        %dma_start3A_234 = arith.constant 0 : i32
        %dma_start3A_235 = tpu.memref_slice %arg3[%shift_right_arithmetic3A_1, %dma_start3A_230, %add3A_222, %dma_start3A_234] : memref<16x3x512x512xf32, #tpu.memory_space<hbm>> -> memref<1x1x16x512xf32, #tpu.memory_space<hbm>>
        %dma_start3A_236 = tpu.memref_squeeze %dma_start3A_235 : memref<1x1x16x512xf32, #tpu.memory_space<hbm>> -> memref<16x512xf32, #tpu.memory_space<hbm>>
        tpu.enqueue_dma source(%dma_start3A_236 : memref<16x512xf32, #tpu.memory_space<hbm>>) target(%arg7 : memref<16x512xf32, #tpu.memory_space<vmem>>) target_semaphore(%arg16 : memref<!tpu.dma_semaphore, #tpu.memory_space<semaphore_mem>>)
        %dma_start3A_237 = arith.constant 1 : i32
        %dma_start3A_238 = arith.constant 0 : i32
        %dma_start3A_239 = tpu.memref_slice %arg3[%shift_right_arithmetic3A_1, %dma_start3A_237, %add3A_222, %dma_start3A_238] : memref<16x3x512x512xf32, #tpu.memory_space<hbm>> -> memref<1x1x16x512xf32, #tpu.memory_space<hbm>>
        %dma_start3A_240 = tpu.memref_squeeze %dma_start3A_239 : memref<1x1x16x512xf32, #tpu.memory_space<hbm>> -> memref<16x512xf32, #tpu.memory_space<hbm>>
        %dma_start3A_241 = arith.constant 0 : i32
        %dma_start3A_242 = tpu.memref_slice %arg3[%shift_right_arithmetic3A_1, %dma_start3A_237, %add3A_222, %dma_start3A_241] : memref<16x3x512x512xf32, #tpu.memory_space<hbm>> -> memref<1x1x16x512xf32, #tpu.memory_space<hbm>>
        %dma_start3A_243 = tpu.memref_squeeze %dma_start3A_242 : memref<1x1x16x512xf32, #tpu.memory_space<hbm>> -> memref<16x512xf32, #tpu.memory_space<hbm>>
        tpu.enqueue_dma source(%dma_start3A_243 : memref<16x512xf32, #tpu.memory_space<hbm>>) target(%arg9 : memref<16x512xf32, #tpu.memory_space<vmem>>) target_semaphore(%arg16 : memref<!tpu.dma_semaphore, #tpu.memory_space<semaphore_mem>>)
        %dma_start3A_244 = arith.constant 2 : i32
        %dma_start3A_245 = arith.constant 0 : i32
        %dma_start3A_246 = tpu.memref_slice %arg3[%shift_right_arithmetic3A_1, %dma_start3A_244, %add3A_222, %dma_start3A_245] : memref<16x3x512x512xf32, #tpu.memory_space<hbm>> -> memref<1x1x16x512xf32, #tpu.memory_space<hbm>>
        %dma_start3A_247 = tpu.memref_squeeze %dma_start3A_246 : memref<1x1x16x512xf32, #tpu.memory_space<hbm>> -> memref<16x512xf32, #tpu.memory_space<hbm>>
        %dma_start3A_248 = arith.constant 0 : i32
        %dma_start3A_249 = tpu.memref_slice %arg3[%shift_right_arithmetic3A_1, %dma_start3A_244, %add3A_222, %dma_start3A_248] : memref<16x3x512x512xf32, #tpu.memory_space<hbm>> -> memref<1x1x16x512xf32, #tpu.memory_space<hbm>>
        %dma_start3A_250 = tpu.memref_squeeze %dma_start3A_249 : memref<1x1x16x512xf32, #tpu.memory_space<hbm>> -> memref<16x512xf32, #tpu.memory_space<hbm>>
        tpu.enqueue_dma source(%dma_start3A_250 : memref<16x512xf32, #tpu.memory_space<hbm>>) target(%arg11 : memref<16x512xf32, #tpu.memory_space<vmem>>) target_semaphore(%arg16 : memref<!tpu.dma_semaphore, #tpu.memory_space<semaphore_mem>>)
      } else {
      }
      %add3A_181 = arith.constant 1 : i32
      %add3A_182 = arith.addi %mul3A_113, %add3A_181 : i32
      %mul3A_183 = arith.constant 16 : i32
      %mul3A_184 = arith.muli %add3A_182, %mul3A_183 : i32
      %add3A_185 = arith.addi %mul3A_4, %mul3A_184 : i32
      %dma_wait3A_186 = arith.constant 0 : i32
      %dma_wait3A_187 = arith.constant 0 : i32
      %dma_wait3A_188 = tpu.memref_slice %arg2[%shift_right_arithmetic3A_1, %dma_wait3A_186, %add3A_185, %dma_wait3A_187] : memref<16x1x512x512xf32, #tpu.memory_space<hbm>> -> memref<1x1x16x512xf32, #tpu.memory_space<hbm>>
      %dma_wait3A_189 = tpu.memref_squeeze %dma_wait3A_188 : memref<1x1x16x512xf32, #tpu.memory_space<hbm>> -> memref<16x512xf32, #tpu.memory_space<hbm>>
      %dma_wait3A_190 = arith.constant 0 : i32
      %dma_wait3A_191 = tpu.memref_slice %arg2[%shift_right_arithmetic3A_1, %dma_wait3A_186, %add3A_185, %dma_wait3A_190] : memref<16x1x512x512xf32, #tpu.memory_space<hbm>> -> memref<1x1x16x512xf32, #tpu.memory_space<hbm>>
      %dma_wait3A_192 = tpu.memref_squeeze %dma_wait3A_191 : memref<1x1x16x512xf32, #tpu.memory_space<hbm>> -> memref<16x512xf32, #tpu.memory_space<hbm>>
      tpu.wait_dma2 semaphore(%arg17 : memref<!tpu.dma_semaphore, #tpu.memory_space<semaphore_mem>>) src(%dma_wait3A_192 : memref<16x512xf32, #tpu.memory_space<hbm>>) dst(%arg6 : memref<16x512xf32, #tpu.memory_space<vmem>>)
      %dma_wait3A_193 = arith.constant 0 : i32
      %dma_wait3A_194 = arith.constant 0 : i32
      %dma_wait3A_195 = tpu.memref_slice %arg3[%shift_right_arithmetic3A_1, %dma_wait3A_193, %add3A_185, %dma_wait3A_194] : memref<16x3x512x512xf32, #tpu.memory_space<hbm>> -> memref<1x1x16x512xf32, #tpu.memory_space<hbm>>
      %dma_wait3A_196 = tpu.memref_squeeze %dma_wait3A_195 : memref<1x1x16x512xf32, #tpu.memory_space<hbm>> -> memref<16x512xf32, #tpu.memory_space<hbm>>
      %dma_wait3A_197 = arith.constant 0 : i32
      %dma_wait3A_198 = tpu.memref_slice %arg3[%shift_right_arithmetic3A_1, %dma_wait3A_193, %add3A_185, %dma_wait3A_197] : memref<16x3x512x512xf32, #tpu.memory_space<hbm>> -> memref<1x1x16x512xf32, #tpu.memory_space<hbm>>
      %dma_wait3A_199 = tpu.memref_squeeze %dma_wait3A_198 : memref<1x1x16x512xf32, #tpu.memory_space<hbm>> -> memref<16x512xf32, #tpu.memory_space<hbm>>
      tpu.wait_dma2 semaphore(%arg17 : memref<!tpu.dma_semaphore, #tpu.memory_space<semaphore_mem>>) src(%dma_wait3A_199 : memref<16x512xf32, #tpu.memory_space<hbm>>) dst(%arg8 : memref<16x512xf32, #tpu.memory_space<vmem>>)
      %dma_wait3A_200 = arith.constant 1 : i32
      %dma_wait3A_201 = arith.constant 0 : i32
      %dma_wait3A_202 = tpu.memref_slice %arg3[%shift_right_arithmetic3A_1, %dma_wait3A_200, %add3A_185, %dma_wait3A_201] : memref<16x3x512x512xf32, #tpu.memory_space<hbm>> -> memref<1x1x16x512xf32, #tpu.memory_space<hbm>>
      %dma_wait3A_203 = tpu.memref_squeeze %dma_wait3A_202 : memref<1x1x16x512xf32, #tpu.memory_space<hbm>> -> memref<16x512xf32, #tpu.memory_space<hbm>>
      %dma_wait3A_204 = arith.constant 0 : i32
      %dma_wait3A_205 = tpu.memref_slice %arg3[%shift_right_arithmetic3A_1, %dma_wait3A_200, %add3A_185, %dma_wait3A_204] : memref<16x3x512x512xf32, #tpu.memory_space<hbm>> -> memref<1x1x16x512xf32, #tpu.memory_space<hbm>>
      %dma_wait3A_206 = tpu.memref_squeeze %dma_wait3A_205 : memref<1x1x16x512xf32, #tpu.memory_space<hbm>> -> memref<16x512xf32, #tpu.memory_space<hbm>>
      tpu.wait_dma2 semaphore(%arg17 : memref<!tpu.dma_semaphore, #tpu.memory_space<semaphore_mem>>) src(%dma_wait3A_206 : memref<16x512xf32, #tpu.memory_space<hbm>>) dst(%arg10 : memref<16x512xf32, #tpu.memory_space<vmem>>)
      %dma_wait3A_207 = arith.constant 2 : i32
      %dma_wait3A_208 = arith.constant 0 : i32
      %dma_wait3A_209 = tpu.memref_slice %arg3[%shift_right_arithmetic3A_1, %dma_wait3A_207, %add3A_185, %dma_wait3A_208] : memref<16x3x512x512xf32, #tpu.memory_space<hbm>> -> memref<1x1x16x512xf32, #tpu.memory_space<hbm>>
      %dma_wait3A_210 = tpu.memref_squeeze %dma_wait3A_209 : memref<1x1x16x512xf32, #tpu.memory_space<hbm>> -> memref<16x512xf32, #tpu.memory_space<hbm>>
      %dma_wait3A_211 = arith.constant 0 : i32
      %dma_wait3A_212 = tpu.memref_slice %arg3[%shift_right_arithmetic3A_1, %dma_wait3A_207, %add3A_185, %dma_wait3A_211] : memref<16x3x512x512xf32, #tpu.memory_space<hbm>> -> memref<1x1x16x512xf32, #tpu.memory_space<hbm>>
      %dma_wait3A_213 = tpu.memref_squeeze %dma_wait3A_212 : memref<1x1x16x512xf32, #tpu.memory_space<hbm>> -> memref<16x512xf32, #tpu.memory_space<hbm>>
      tpu.wait_dma2 semaphore(%arg17 : memref<!tpu.dma_semaphore, #tpu.memory_space<semaphore_mem>>) src(%dma_wait3A_213 : memref<16x512xf32, #tpu.memory_space<hbm>>) dst(%arg12 : memref<16x512xf32, #tpu.memory_space<vmem>>)
      %parallel_loop3A_214 = arith.constant 0 : i32
      %parallel_loop3A_215 = arith.constant 512 : i32
      %parallel_loop3A_216 = arith.constant 1 : i32
      scf.for %parallel_loop3A_218 = %parallel_loop3A_214 to %parallel_loop3A_215 step %parallel_loop3A_216  : i32 {
        %parallel_loop3A_219 = arith.constant 5 : i32
        %parallel_loop3A_220 = arith.shrsi %parallel_loop3A_218, %parallel_loop3A_219 : i32
        %parallel_loop3A_221 = arith.constant 31 : i32
        %parallel_loop3A_222 = arith.andi %parallel_loop3A_218, %parallel_loop3A_221 : i32
        %parallel_loop3A_223 = arith.constant 16 : i32
        %parallel_loop3A_224 = arith.muli %parallel_loop3A_222, %parallel_loop3A_223 : i32
        %parallel_loop3A_225 = arith.index_cast %parallel_loop3A_220 : i32 to index
        %parallel_loop3A_226 = arith.index_cast %parallel_loop3A_224 : i32 to index
        %parallel_loop3A_227 = tpu.vector_load %arg6[%parallel_loop3A_225, %parallel_loop3A_226] {strides = array<i32>} : memref<16x512xf32, #tpu.memory_space<vmem>>, vector<16xf32>,
        %parallel_loop3A_228 = arith.index_cast %parallel_loop3A_220 : i32 to index
        %parallel_loop3A_229 = arith.index_cast %parallel_loop3A_224 : i32 to index
        %parallel_loop3A_230 = tpu.vector_load %arg8[%parallel_loop3A_228, %parallel_loop3A_229] {strides = array<i32>} : memref<16x512xf32, #tpu.memory_space<vmem>>, vector<16xf32>,
        %parallel_loop3A_231 = arith.index_cast %parallel_loop3A_220 : i32 to index
        %parallel_loop3A_232 = arith.index_cast %parallel_loop3A_224 : i32 to index
        %parallel_loop3A_233 = tpu.vector_load %arg10[%parallel_loop3A_231, %parallel_loop3A_232] {strides = array<i32>} : memref<16x512xf32, #tpu.memory_space<vmem>>, vector<16xf32>,
        %parallel_loop3A_234 = arith.index_cast %parallel_loop3A_220 : i32 to index
        %parallel_loop3A_235 = arith.index_cast %parallel_loop3A_224 : i32 to index
        %parallel_loop3A_236 = tpu.vector_load %arg12[%parallel_loop3A_234, %parallel_loop3A_235] {strides = array<i32>} : memref<16x512xf32, #tpu.memory_space<vmem>>, vector<16xf32>,
        %parallel_loop3A_237 = arith.constant 1.000000e+00 : f32
        %parallel_loop3A_238 = vector.broadcast %parallel_loop3A_237 : f32 to vector<16xf32>
        %parallel_loop3A_239 = arith.subf %parallel_loop3A_238, %parallel_loop3A_230 : vector<16xf32>
        %parallel_loop3A_240 = arith.mulf %parallel_loop3A_239, %parallel_loop3A_239 : vector<16xf32>
        %parallel_loop3A_241 = arith.mulf %parallel_loop3A_240, %parallel_loop3A_240 : vector<16xf32>
        %parallel_loop3A_242 = arith.mulf %parallel_loop3A_227, %parallel_loop3A_233 : vector<16xf32>
        %parallel_loop3A_243 = arith.subf %parallel_loop3A_242, %parallel_loop3A_236 : vector<16xf32>
        %parallel_loop3A_244 = math.absf %parallel_loop3A_243 : vector<16xf32>
        %parallel_loop3A_245 = arith.constant 0.000000e+00 : f32
        %parallel_loop3A_246 = vector.broadcast %parallel_loop3A_245 : f32 to vector<16xf32>
        %parallel_loop3A_247 = arith.cmpf ogt, %parallel_loop3A_233, %parallel_loop3A_246 : vector<16xf32>
        %parallel_loop3A_248 = arith.constant 1.000000e+01 : f32
        %parallel_loop3A_249 = vector.broadcast %parallel_loop3A_248 : f32 to vector<16xf32>
        %parallel_loop3A_250 = arith.mulf %parallel_loop3A_244, %parallel_loop3A_249 : vector<16xf32>
        %parallel_loop3A_251 = arith.fptosi %parallel_loop3A_250 : vector<16xf32> to vector<16xi32>
        %parallel_loop3A_252 = tpu.bitcast %parallel_loop3A_227 : vector<16xf32> -> vector<16xi32>
        %parallel_loop3A_253 = arith.sitofp %parallel_loop3A_252 : vector<16xi32> to vector<16xf32>
        %parallel_loop3A_254 = arith.constant 8.26295832E-8 : f32
        %parallel_loop3A_255 = vector.broadcast %parallel_loop3A_254 : f32 to vector<16xf32>
        %parallel_loop3A_256 = arith.mulf %parallel_loop3A_253, %parallel_loop3A_255 : vector<16xf32>
        %parallel_loop3A_257 = arith.constant 8388607 : i32
        %parallel_loop3A_258 = vector.broadcast %parallel_loop3A_257 : i32 to vector<16xi32>
        %parallel_loop3A_259 = arith.andi %parallel_loop3A_252, %parallel_loop3A_258 : vector<16xi32>
        %parallel_loop3A_260 = arith.constant 1065353216 : i32
        %parallel_loop3A_261 = vector.broadcast %parallel_loop3A_260 : i32 to vector<16xi32>
        %parallel_loop3A_262 = arith.ori %parallel_loop3A_259, %parallel_loop3A_261 : vector<16xi32>
        %parallel_loop3A_263 = tpu.bitcast %parallel_loop3A_262 : vector<16xi32> -> vector<16xf32>
        %parallel_loop3A_264 = arith.constant 1.000000e+00 : f32
        %parallel_loop3A_265 = vector.broadcast %parallel_loop3A_264 : f32 to vector<16xf32>
        %parallel_loop3A_266 = arith.subf %parallel_loop3A_263, %parallel_loop3A_265 : vector<16xf32>
        %parallel_loop3A_267 = arith.constant -0.233508319 : f32
        %parallel_loop3A_268 = vector.broadcast %parallel_loop3A_267 : f32 to vector<16xf32>
        %parallel_loop3A_269 = arith.mulf %parallel_loop3A_268, %parallel_loop3A_266 : vector<16xf32>
        %parallel_loop3A_270 = arith.constant 0.222594991 : f32
        %parallel_loop3A_271 = vector.broadcast %parallel_loop3A_270 : f32 to vector<16xf32>
        %parallel_loop3A_272 = arith.addf %parallel_loop3A_269, %parallel_loop3A_271 : vector<16xf32>
        %parallel_loop3A_273 = arith.mulf %parallel_loop3A_272, %parallel_loop3A_266 : vector<16xf32>
        %parallel_loop3A_274 = arith.constant -88.0234299 : f32
        %parallel_loop3A_275 = vector.broadcast %parallel_loop3A_274 : f32 to vector<16xf32>
        %parallel_loop3A_276 = arith.addf %parallel_loop3A_273, %parallel_loop3A_275 : vector<16xf32>
        %parallel_loop3A_277 = arith.addf %parallel_loop3A_256, %parallel_loop3A_276 : vector<16xf32>
        %parallel_loop3A_278 = arith.mulf %parallel_loop3A_277, %parallel_loop3A_236 : vector<16xf32>
        %parallel_loop3A_279 = arith.constant 1.000000e+00 : f32
        %parallel_loop3A_280 = vector.broadcast %parallel_loop3A_279 : f32 to vector<16xf32>
        %parallel_loop3A_281 = arith.subf %parallel_loop3A_280, %parallel_loop3A_227 : vector<16xf32>
        %parallel_loop3A_282 = tpu.bitcast %parallel_loop3A_281 : vector<16xf32> -> vector<16xi32>
        %parallel_loop3A_283 = arith.sitofp %parallel_loop3A_282 : vector<16xi32> to vector<16xf32>
        %parallel_loop3A_284 = arith.constant 8.26295832E-8 : f32
        %parallel_loop3A_285 = vector.broadcast %parallel_loop3A_284 : f32 to vector<16xf32>
        %parallel_loop3A_286 = arith.mulf %parallel_loop3A_283, %parallel_loop3A_285 : vector<16xf32>
        %parallel_loop3A_287 = arith.constant 8388607 : i32
        %parallel_loop3A_288 = vector.broadcast %parallel_loop3A_287 : i32 to vector<16xi32>
        %parallel_loop3A_289 = arith.andi %parallel_loop3A_282, %parallel_loop3A_288 : vector<16xi32>
        %parallel_loop3A_290 = arith.constant 1065353216 : i32
        %parallel_loop3A_291 = vector.broadcast %parallel_loop3A_290 : i32 to vector<16xi32>
        %parallel_loop3A_292 = arith.ori %parallel_loop3A_289, %parallel_loop3A_291 : vector<16xi32>
        %parallel_loop3A_293 = tpu.bitcast %parallel_loop3A_292 : vector<16xi32> -> vector<16xf32>
        %parallel_loop3A_294 = arith.constant 1.000000e+00 : f32
        %parallel_loop3A_295 = vector.broadcast %parallel_loop3A_294 : f32 to vector<16xf32>
        %parallel_loop3A_296 = arith.subf %parallel_loop3A_293, %parallel_loop3A_295 : vector<16xf32>
        %parallel_loop3A_297 = arith.constant -0.233508319 : f32
        %parallel_loop3A_298 = vector.broadcast %parallel_loop3A_297 : f32 to vector<16xf32>
        %parallel_loop3A_299 = arith.mulf %parallel_loop3A_298, %parallel_loop3A_296 : vector<16xf32>
        %parallel_loop3A_300 = arith.constant 0.222594991 : f32
        %parallel_loop3A_301 = vector.broadcast %parallel_loop3A_300 : f32 to vector<16xf32>
        %parallel_loop3A_302 = arith.addf %parallel_loop3A_299, %parallel_loop3A_301 : vector<16xf32>
        %parallel_loop3A_303 = arith.mulf %parallel_loop3A_302, %parallel_loop3A_296 : vector<16xf32>
        %parallel_loop3A_304 = arith.constant -88.0234299 : f32
        %parallel_loop3A_305 = vector.broadcast %parallel_loop3A_304 : f32 to vector<16xf32>
        %parallel_loop3A_306 = arith.addf %parallel_loop3A_303, %parallel_loop3A_305 : vector<16xf32>
        %parallel_loop3A_307 = arith.addf %parallel_loop3A_286, %parallel_loop3A_306 : vector<16xf32>
        %parallel_loop3A_308 = arith.subf %parallel_loop3A_233, %parallel_loop3A_236 : vector<16xf32>
        %parallel_loop3A_309 = arith.mulf %parallel_loop3A_307, %parallel_loop3A_308 : vector<16xf32>
        %parallel_loop3A_310 = arith.mulf %parallel_loop3A_309, %parallel_loop3A_241 : vector<16xf32>
        %parallel_loop3A_311 = arith.constant 4 : i32
        %parallel_loop3A_312 = vector.broadcast %parallel_loop3A_311 : i32 to vector<16xi32>
        %parallel_loop3A_313 = arith.shli %parallel_loop3A_251, %parallel_loop3A_312 : vector<16xi32>
        %parallel_loop3A_314 = arith.addi %parallel_loop3A_313, %iota3A : vector<16xi32>
        tpu.vector_store_idx %arg13[%parallel_loop3A_314], %broadcast_in_dim3A_66 masked %parallel_loop3A_247 {add = true} : memref<160xf32, #tpu.memory_space<vmem>>[vector<16xi32>], vector<16xf32>, vector<16xi1>
        tpu.vector_store_idx %arg14[%parallel_loop3A_314], %parallel_loop3A_278 masked %parallel_loop3A_247 {add = true} : memref<160xf32, #tpu.memory_space<vmem>>[vector<16xi32>], vector<16xf32>, vector<16xi1>
        tpu.vector_store_idx %arg15[%parallel_loop3A_314], %parallel_loop3A_310 masked %parallel_loop3A_247 {add = true} : memref<160xf32, #tpu.memory_space<vmem>>[vector<16xi32>], vector<16xf32>, vector<16xi1>
      } {sc.loop_unroll_factor = 4 : i64, sc.parallel_access}
      %scan3A_217 = arith.constant 0 : i32
      scf.yield %scan3A_217 : i32
    }
    %scan3A_101 = arith.constant 8 : i32
    %mul3A_102 = arith.constant 30 : i32
    %mul3A_103 = arith.muli %add3A, %mul3A_102 : i32
    %mul3A_104 = arith.constant 16 : i32
    %mul3A_105 = arith.muli %mul3A_103, %mul3A_104 : i32
    "tpu.region"() ({
      %run_scoped3A = tpu.sem_alloc : memref<!tpu.dma_semaphore, #tpu.memory_space<semaphore_mem>>
      %dma_start3A_110 = tpu.memref_slice %arg4[%mul3A_105] : memref<15360xf32, #tpu.memory_space<hbm>> -> memref<160xf32, #tpu.memory_space<hbm>>
      %dma_start3A_111 = tpu.memref_slice %arg4[%mul3A_105] : memref<15360xf32, #tpu.memory_space<hbm>> -> memref<160xf32, #tpu.memory_space<hbm>>
      tpu.enqueue_dma source(%arg13 : memref<160xf32, #tpu.memory_space<vmem>>) target(%dma_start3A_111 : memref<160xf32, #tpu.memory_space<hbm>>) target_semaphore(%run_scoped3A : memref<!tpu.dma_semaphore, #tpu.memory_space<semaphore_mem>>)
      %dma_wait3A = tpu.memref_slice %arg4[%mul3A_105] : memref<15360xf32, #tpu.memory_space<hbm>> -> memref<160xf32, #tpu.memory_space<hbm>>
      %dma_wait3A_112 = tpu.memref_slice %arg4[%mul3A_105] : memref<15360xf32, #tpu.memory_space<hbm>> -> memref<160xf32, #tpu.memory_space<hbm>>
      tpu.wait_dma2 semaphore(%run_scoped3A : memref<!tpu.dma_semaphore, #tpu.memory_space<semaphore_mem>>) src(%arg13 : memref<160xf32, #tpu.memory_space<vmem>>) dst(%dma_wait3A_112 : memref<160xf32, #tpu.memory_space<hbm>>)
      tpu.yield
    }) : () -> ()
    %add3A_106 = arith.constant 160 : i32
    %add3A_107 = arith.addi %mul3A_105, %add3A_106 : i32
    "tpu.region"() ({
      %run_scoped3A = tpu.sem_alloc : memref<!tpu.dma_semaphore, #tpu.memory_space<semaphore_mem>>
      %dma_start3A_110 = tpu.memref_slice %arg4[%add3A_107] : memref<15360xf32, #tpu.memory_space<hbm>> -> memref<160xf32, #tpu.memory_space<hbm>>
      %dma_start3A_111 = tpu.memref_slice %arg4[%add3A_107] : memref<15360xf32, #tpu.memory_space<hbm>> -> memref<160xf32, #tpu.memory_space<hbm>>
      tpu.enqueue_dma source(%arg14 : memref<160xf32, #tpu.memory_space<vmem>>) target(%dma_start3A_111 : memref<160xf32, #tpu.memory_space<hbm>>) target_semaphore(%run_scoped3A : memref<!tpu.dma_semaphore, #tpu.memory_space<semaphore_mem>>)
      %dma_wait3A = tpu.memref_slice %arg4[%add3A_107] : memref<15360xf32, #tpu.memory_space<hbm>> -> memref<160xf32, #tpu.memory_space<hbm>>
      %dma_wait3A_112 = tpu.memref_slice %arg4[%add3A_107] : memref<15360xf32, #tpu.memory_space<hbm>> -> memref<160xf32, #tpu.memory_space<hbm>>
      tpu.wait_dma2 semaphore(%run_scoped3A : memref<!tpu.dma_semaphore, #tpu.memory_space<semaphore_mem>>) src(%arg14 : memref<160xf32, #tpu.memory_space<vmem>>) dst(%dma_wait3A_112 : memref<160xf32, #tpu.memory_space<hbm>>)
      tpu.yield
    }) : () -> ()
    %add3A_108 = arith.constant 320 : i32
    %add3A_109 = arith.addi %mul3A_105, %add3A_108 : i32
    "tpu.region"() ({
      %run_scoped3A = tpu.sem_alloc : memref<!tpu.dma_semaphore, #tpu.memory_space<semaphore_mem>>
      %dma_start3A_110 = tpu.memref_slice %arg4[%add3A_109] : memref<15360xf32, #tpu.memory_space<hbm>> -> memref<160xf32, #tpu.memory_space<hbm>>
      %dma_start3A_111 = tpu.memref_slice %arg4[%add3A_109] : memref<15360xf32, #tpu.memory_space<hbm>> -> memref<160xf32, #tpu.memory_space<hbm>>
      tpu.enqueue_dma source(%arg15 : memref<160xf32, #tpu.memory_space<vmem>>) target(%dma_start3A_111 : memref<160xf32, #tpu.memory_space<hbm>>) target_semaphore(%run_scoped3A : memref<!tpu.dma_semaphore, #tpu.memory_space<semaphore_mem>>)
      %dma_wait3A = tpu.memref_slice %arg4[%add3A_109] : memref<15360xf32, #tpu.memory_space<hbm>> -> memref<160xf32, #tpu.memory_space<hbm>>
      %dma_wait3A_112 = tpu.memref_slice %arg4[%add3A_109] : memref<15360xf32, #tpu.memory_space<hbm>> -> memref<160xf32, #tpu.memory_space<hbm>>
      tpu.wait_dma2 semaphore(%run_scoped3A : memref<!tpu.dma_semaphore, #tpu.memory_space<semaphore_mem>>) src(%arg15 : memref<160xf32, #tpu.memory_space<vmem>>) dst(%dma_wait3A_112 : memref<160xf32, #tpu.memory_space<hbm>>)
      tpu.yield
    }) : () -> ()
    return
  }
}

module attributes {stable_mosaic.version = 14 : i64} {
  func.func @_combine_body(%arg0: memref<30x512xf32, #tpu.memory_space<vmem>>, %arg1: memref<8x128xf32, #tpu.memory_space<vmem>>) attributes {dimension_semantics = [], scalar_prefetch = 0 : i64, scratch_operands = 0 : i64, tpu.core_type = #tpu.core_type<tc>} {
    %get3A = arith.constant 0 : index
    %get3A_0 = arith.constant 0 : index
    %get3A_1 = vector.load %arg0[%get3A, %get3A_0] : memref<30x512xf32, #tpu.memory_space<vmem>>, vector<30x512xf32>
    %slice3A = vector.extract_strided_slice %get3A_1 {offsets = [0, 0], sizes = [10, 512], strides = [1, 1]} : vector<30x512xf32> to vector<10x512xf32>
    %reduce_sum3A = arith.constant dense<0.000000e+00> : vector<10xf32>
    %reduce_sum3A_2 = vector.multi_reduction <add>, %slice3A, %reduce_sum3A [1] : vector<10x512xf32> to vector<10xf32>
    %slice3A_3 = vector.extract_strided_slice %get3A_1 {offsets = [10, 0], sizes = [10, 512], strides = [1, 1]} : vector<30x512xf32> to vector<10x512xf32>
    %reduce_sum3A_4 = arith.constant dense<0.000000e+00> : vector<10xf32>
    %reduce_sum3A_5 = vector.multi_reduction <add>, %slice3A_3, %reduce_sum3A_4 [1] : vector<10x512xf32> to vector<10xf32>
    %slice3A_6 = vector.extract_strided_slice %get3A_1 {offsets = [20, 0], sizes = [10, 512], strides = [1, 1]} : vector<30x512xf32> to vector<10x512xf32>
    %reduce_sum3A_7 = arith.constant dense<0.000000e+00> : vector<10xf32>
    %reduce_sum3A_8 = vector.multi_reduction <add>, %slice3A_6, %reduce_sum3A_7 [1] : vector<10x512xf32> to vector<10xf32>
    %reduce_sum3A_9 = vector.shape_cast %reduce_sum3A_2 : vector<10xf32> to vector<1x10xf32>
    %reduce_sum3A_10 = arith.constant dense<0.000000e+00> : vector<1xf32>
    %reduce_sum3A_11 = vector.multi_reduction <add>, %reduce_sum3A_9, %reduce_sum3A_10 [1] : vector<1x10xf32> to vector<1xf32>
    %reduce_sum3A_12 = vector.shape_cast %reduce_sum3A_11 : vector<1xf32> to vector<1x1xf32>
    %reduce_sum3A_13 = vector.extract %reduce_sum3A_12[0, 0] : f32 from vector<1x1xf32>
    %max3A = arith.constant 1.000000e+00 : f32
    %max3A_14 = arith.maximumf %reduce_sum3A_13, %max3A : f32
    %gt3A = arith.constant 0.000000e+00 : f32
    %gt3A_15 = vector.broadcast %gt3A : f32 to vector<10xf32>
    %gt3A_16 = arith.cmpf ogt, %reduce_sum3A_2, %gt3A_15 : vector<10xf32>
    %convert_element_type3A = arith.extui %gt3A_16 : vector<10xi1> to vector<10xi32>
    %convert_element_type3A_17 = arith.sitofp %convert_element_type3A : vector<10xi32> to vector<10xf32>
    %reduce_sum3A_18 = vector.shape_cast %convert_element_type3A_17 : vector<10xf32> to vector<1x10xf32>
    %reduce_sum3A_19 = arith.constant dense<0.000000e+00> : vector<1xf32>
    %reduce_sum3A_20 = vector.multi_reduction <add>, %reduce_sum3A_18, %reduce_sum3A_19 [1] : vector<1x10xf32> to vector<1xf32>
    %reduce_sum3A_21 = vector.shape_cast %reduce_sum3A_20 : vector<1xf32> to vector<1x1xf32>
    %reduce_sum3A_22 = vector.extract %reduce_sum3A_21[0, 0] : f32 from vector<1x1xf32>
    %max3A_23 = arith.constant 1.000000e+00 : f32
    %max3A_24 = arith.maximumf %reduce_sum3A_22, %max3A_23 : f32
    %jit3A = arith.constant 1.000000e+00 : f32
    %broadcast_in_dim3A = vector.broadcast %jit3A : f32 to vector<10xf32>
    %select_n3A = arith.select %gt3A_16, %reduce_sum3A_2, %broadcast_in_dim3A : vector<10xi1>, vector<10xf32>
    %div3A = vector.broadcast %max3A_14 : f32 to vector<10xf32>
    %div3A_25 = arith.divf %div3A, %select_n3A : vector<10xf32>
    %div3A_26 = vector.broadcast %max3A_24 : f32 to vector<10xf32>
    %div3A_27 = arith.divf %div3A_25, %div3A_26 : vector<10xf32>
    %mul3A = arith.mulf %div3A_27, %reduce_sum3A_5 : vector<10xf32>
    %jit3A_28 = arith.constant 0.000000e+00 : f32
    %broadcast_in_dim3A_29 = vector.broadcast %jit3A_28 : f32 to vector<10xf32>
    %select_n3A_30 = arith.select %gt3A_16, %mul3A, %broadcast_in_dim3A_29 : vector<10xi1>, vector<10xf32>
    %reduce_sum3A_31 = vector.shape_cast %select_n3A_30 : vector<10xf32> to vector<1x10xf32>
    %reduce_sum3A_32 = arith.constant dense<0.000000e+00> : vector<1xf32>
    %reduce_sum3A_33 = vector.multi_reduction <add>, %reduce_sum3A_31, %reduce_sum3A_32 [1] : vector<1x10xf32> to vector<1xf32>
    %reduce_sum3A_34 = vector.shape_cast %reduce_sum3A_33 : vector<1xf32> to vector<1x1xf32>
    %reduce_sum3A_35 = vector.extract %reduce_sum3A_34[0, 0] : f32 from vector<1x1xf32>
    %mul3A_36 = arith.mulf %div3A_27, %reduce_sum3A_8 : vector<10xf32>
    %jit3A_37 = arith.constant 0.000000e+00 : f32
    %broadcast_in_dim3A_38 = vector.broadcast %jit3A_37 : f32 to vector<10xf32>
    %select_n3A_39 = arith.select %gt3A_16, %mul3A_36, %broadcast_in_dim3A_38 : vector<10xi1>, vector<10xf32>
    %reduce_sum3A_40 = vector.shape_cast %select_n3A_39 : vector<10xf32> to vector<1x10xf32>
    %reduce_sum3A_41 = arith.constant dense<0.000000e+00> : vector<1xf32>
    %reduce_sum3A_42 = vector.multi_reduction <add>, %reduce_sum3A_40, %reduce_sum3A_41 [1] : vector<1x10xf32> to vector<1xf32>
    %reduce_sum3A_43 = vector.shape_cast %reduce_sum3A_42 : vector<1xf32> to vector<1x1xf32>
    %reduce_sum3A_44 = vector.extract %reduce_sum3A_43[0, 0] : f32 from vector<1x1xf32>
    %add3A = arith.addf %reduce_sum3A_35, %reduce_sum3A_44 : f32
    %neg3A = arith.constant 0.000000e+00 : f32
    %neg3A_45 = arith.subf %neg3A, %add3A : f32
    %div3A_46 = arith.divf %neg3A_45, %max3A_14 : f32
    %broadcast_in_dim3A_47 = vector.broadcast %div3A_46 : f32 to vector<8x128xf32>
    %swap3A = arith.constant 0 : index
    %swap3A_48 = arith.constant 0 : index
    %swap3A_49 = vector.load %arg1[%swap3A, %swap3A_48] : memref<8x128xf32, #tpu.memory_space<vmem>>, vector<8x128xf32>
    tpu.vector_store %arg1[%swap3A, %swap3A_48], %broadcast_in_dim3A_47 {strides = array<i32>} : memref<8x128xf32, #tpu.memory_space<vmem>>, vector<8x128xf32>,
    return
  }
}

</mosaic_0001>

<sc_bundles>
// kernel: kernel.4.cloned.1.call-start
scs
__scs_entry_jumppad:
0x0: {  	(pc) =	sbr.rel $0x88, $3  }
0x1: {  	(tag) =	ssettag $0x0;
	lr =	simm.s32 $0x1  }
0x2: {  	[smem:$0x3F9F] =	sst lr;
	_ =	strace $0xD0000000  }
0x3: {  	_ = 	snop  }
0x4: {  	_ = 	snop  }
0x5: {  	_ = 	snop  }
0x6: {  	_ = 	snop  }
0x7: {  	_ = 	snop  }
__scs_overlays_trampoline_lowered:
0x8: {  	[smem:$0x3FAE] =	sst s0  }
0x9: {  	[smem:$0x3FAF] =	sst s1  }
0xa: {  	[smem:$0x3FB0] =	sst s2  }
0xb: {  	[smem:$0x3FB1] =	sst s3  }
0xc: {  	[smem:$0x3FB2] =	sst s4  }
0xd: {  	[smem:$0x3FB3] =	sst s5  }
0xe: {  	[smem:$0x3FB4] =	sst s6  }
0xf: {  	[smem:$0x3FB5] =	sst s7  }
0x10: {  	[smem:$0x3FB6] =	sst s8  }
0x11: {  	[smem:$0x3FB7] =	sst s9;
	s0 =	simm.s32 @!p0 $0x0  }
0x12: {  	s1 =	sld [smem:$0x3F9D];
	s0 =	simm.s32 @p0 $0x1  }
0x13: {  	[smem:$0x3FB8] =	sst s0;
	s0 =	simm.s32 @!p1 $0x0  }
0x14: {  	s2 =	sld [smem:$0x3F9C];
	s0 =	simm.s32 @p1 $0x1  }
0x15: {  	[smem:$0x3FB9] =	sst s0;
	s0 =	simm.s32 @!p2 $0x0  }
0x16: {  	s3 =	sld [smem:$0x3FDB];
	s0 =	simm.s32 @p2 $0x1  }
0x17: {  	s4 =	simm.s32 $0x1BF5;
	[smem:$0x3FBB] =	sst s0  }
0x18: {  	s0 =	sld [smem:$0x3F9E];
	_ =	swait.ge [sflag:s4], $0x0  }
0x19: {  	s7 =	sld [smem:$0x3F9F]  }
0x1a: {  	s8 =	sadd.s32 $0xFFFFE003, lr  }
0x1b: {  	s9 =	sadd.s32 $0xFFFFFEF7, lr;
	s5 =	simm.s32 $0xFFFFFFFF;
	p2 =	slt.u32 s8, $0xFFFFF086  }
0x1c: {  	p1 =	slt.u32 s9, $0xF7A;
	s5 =	simm.s32 @!p2 $0x0  }
0x1d: {  	s5 =	simm.s32 @p1 $0x1;
	p0 =	seq.s32 s7, s2  }
0x1e: {  	s7 =	smul.u32 @!p0 $0xF7A, s2;
	p2 =	seq.s32 @!p0 s5, $0x0  }
0x1f: {  	s9 =	smul.u32 $0xF7A, s1;
	s8 =	simm.s32 @!p0 $0x1BF5;
	p2 =	por !p2, p0  }
0x20: {  	[sflag:s8] =	ssyncset.s32 @!p0 $0xFFFFF086;
	s6 =	sadd.s32 @!p0 s3, s7;
	s7 =	simm.s32 @!p0 $0x108  }
0x21: {  	s3 =	sadd.s32 s3, s9;
	s6 =	sadd.s32 @!p0 $0x88, s6;
	s7 =	simm.s32 @p2 $0x1082  }
0x22: {  	[simem:s7], [sflag:s8] =	dma.local @!p0 [hbm:s6], $0xF7A  }
0x23: {  	s9 =	sor.u32 $0xD0000000, s2;
	s6 =	simm.s32 $0x108;
	_ =	swait.ge @!p0 [sflag:s8], $0x0  }
0x24: {  	s3 =	sadd.s32 $0x88, s3;
	s6 =	simm.s32 @!p1 $0x1082;
	[sflag:s4] =	ssyncset.s32 $0xFFFFF086  }
0x25: {  	[simem:s6], [sflag:s4] =	dma.local [hbm:s3], $0xF7A  }
0x26: {  	[smem:$0x3F9F] =	sst s1;
	(tag) =	ssettag s2;
	_ =	strace s9  }
0x27: {  	s1 =	sld [smem:$0x3FAF]  }
0x28: {  	s2 =	sld [smem:$0x3FB0]  }
0x29: {  	s4 =	sld [smem:$0x3FB2]  }
0x2a: {  	p0 =	seq.s32 s5, $0x0;
	s5 =	sld [smem:$0x3FB3]  }
0x2b: {  	s6 =	sld [smem:$0x3FB4]  }
0x2c: {  	s7 =	sld [smem:$0x3FB5]  }
0x2d: {  	s3 =	simm.s32 $0x108;
	s8 =	sld [smem:$0x3FB6]  }
0x2e: {  	s3 =	simm.s32 @!p0 $0x1082;
	s9 =	sld [smem:$0x3FB7]  }
0x2f: {  	lr =	sadd.s32 s0, s3;
	s0 =	sld [smem:$0x3FAE]  }
0x30: {  	s3 =	sld [smem:$0x3FB1]  }
0x31: {  	[smem:$0x3FBA] =	sst s10  }
0x32: {  	s10 =	sld [smem:$0x3FB8];
	_ =	sdelay $0x3  }
0x33: {  	p0 =	seq.s32 s10, $0x1;
	s10 =	sld [smem:$0x3FBA];
	_ =	sdelay $0x3  }
0x34: {  	[smem:$0x3FBA] =	sst s10  }
0x35: {  	s10 =	sld [smem:$0x3FB9];
	_ =	sdelay $0x3  }
0x36: {  	p1 =	seq.s32 s10, $0x1;
	s10 =	sld [smem:$0x3FBA];
	_ =	sdelay $0x3  }
0x37: {  	[smem:$0x3FBA] =	sst s10  }
0x38: {  	s10 =	sld [smem:$0x3FBB]  }
0x39: {  	_ = 	snop;
	(pc) =	sbr.ind lr, $3  }
0x3a: {  	_ = 	snop  }
0x3b: {  	_ = 	snop  }
0x3c: {  	p2 =	seq.s32 s10, $0x1;
	s10 =	sld [smem:$0x3FBA]  }
0x3d: {  	_ =	shalt  }
0x3e: {  	_ =	shalt  }
0x3f: {  	_ =	shalt  }
0x40: {  	_ =	shalt  }
0x41: {  	_ =	shalt  }
0x42: {  	_ =	shalt  }
0x43: {  	_ =	shalt  }
0x44: {  	_ =	shalt  }
0x45: {  	_ =	shalt  }
0x46: {  	_ =	shalt  }
0x47: {  	_ =	shalt  }
0x48: {  	_ =	shalt  }
0x49: {  	_ =	shalt  }
0x4a: {  	_ =	shalt  }
0x4b: {  	_ =	shalt  }
0x4c: {  	_ =	shalt  }
0x4d: {  	_ =	shalt  }
0x4e: {  	_ =	shalt  }
0x4f: {  	_ =	shalt  }
0x50: {  	_ =	shalt  }
0x51: {  	_ =	shalt  }
0x52: {  	_ =	shalt  }
0x53: {  	_ =	shalt  }
0x54: {  	_ =	shalt  }
0x55: {  	_ =	shalt  }
0x56: {  	_ =	shalt  }
0x57: {  	_ =	shalt  }
0x58: {  	_ =	shalt  }
0x59: {  	_ =	shalt  }
0x5a: {  	_ =	shalt  }
0x5b: {  	_ =	shalt  }
0x5c: {  	_ =	shalt  }
0x5d: {  	_ =	shalt  }
0x5e: {  	_ =	shalt  }
0x5f: {  	_ =	shalt  }
0x60: {  	_ =	shalt  }
0x61: {  	_ =	shalt  }
0x62: {  	_ =	shalt  }
0x63: {  	_ =	shalt  }
0x64: {  	_ =	shalt  }
0x65: {  	_ =	shalt  }
0x66: {  	_ =	shalt  }
0x67: {  	_ =	shalt  }
0x68: {  	_ =	shalt  }
0x69: {  	_ =	shalt  }
0x6a: {  	_ =	shalt  }
0x6b: {  	_ =	shalt  }
0x6c: {  	_ =	shalt  }
0x6d: {  	_ =	shalt  }
0x6e: {  	_ =	shalt  }
0x6f: {  	_ =	shalt  }
0x70: {  	_ =	shalt  }
0x71: {  	_ =	shalt  }
0x72: {  	_ =	shalt  }
0x73: {  	_ =	shalt  }
0x74: {  	_ =	shalt  }
0x75: {  	_ =	shalt  }
0x76: {  	_ =	shalt  }
0x77: {  	_ =	shalt  }
0x78: {  	_ =	shalt  }
0x79: {  	_ =	shalt  }
0x7a: {  	_ =	shalt  }
0x7b: {  	_ =	shalt  }
0x7c: {  	_ =	shalt  }
0x7d: {  	_ =	shalt  }
0x7e: {  	_ =	shalt  }
0x7f: {  	_ =	shalt  }
0x80: {  	_ =	shalt  }
0x81: {  	_ =	shalt  }
0x82: {  	_ =	shalt  }
0x83: {  	_ =	shalt  }
0x84: {  	_ =	shalt  }
0x85: {  	_ =	shalt  }
0x86: {  	_ =	shalt  }
0x87: {  	_ =	shalt  }
.Lfunc_end0:
.L_simem_size_0:
called_computation_lowered:
.L_overlay_start_0:
0x88: {  	s2 =	sld [smem:$0x3FD9]  }
0x89: {  	s3 =	sld [smem:$0x3FFE];
	_ =	sdelay $0x1  }
0x8a: {  	s1 =	srdreg.scid  }
0x8b: {  	s0 =	sand.u32 $0x1, s1  }
0x8c: {  	s17 =	sshll.u32 s0, $0xA;
	s2 =	sadd.s32 s3, s2  }
0x8d: {  	s2 =	sadd.s32 s2, s17  }
0x8e: {  	[smem:$0x3FC6] =	sst s2  }
0x8f: {  	_ = 	snop  }
0x90: {  	s2 =	sld [smem:$0x3FC9]  }
0x91: {  	s18 =	sld [smem:$0x3FC8];
	(tm) =	ssettm $0x1  }
0x92: {  	s4 =	sld [smem:$0x3FFB];
	_ =	sdelay $0x3  }
0x93: {  	_ =	strace s4  }
0x94: {  	s4 =	sld [smem:$0x3FFC];
	_ =	sdelay $0x3  }
0x95: {  	_ =	strace s4  }
0x96: {  	s4 =	sld [smem:$0x3FFD];
	_ =	sdelay $0x3  }
0x97: {  	_ =	strace s4  }
0x98: {  	_ =	strace $0x8FFFFFFF  }
0x99: {  	s19 =	sld [smem:$0x3FDB];
	_ =	sdelay $0x1  }
0x9a: {  	s5 =	simm.s32 $_scs_section_size  }
0x9b: {  	s6 =	simm.s32 $_size__tile_overlayer_lowered;
	s7 =	simm.s32 $_tile_overlayer_lowered  }
0x9c: {  	s22 =	simm.s32 $0x1BFF;
	s21 =	sshll.u32 s7, $0x1;
	s4 =	sadd.s32 s5, s19  }
0x9d: {  	s8 =	simm.s32 $0x0;
	s20 =	sshll.u32 s6, $0x1;
	s6 =	sadd.s32 s21, s4  }
0x9e: {  	[timem:s8], [sflag:s22] =	dma.local [hbm:s6], s20  }
0x9f: {  	_ =	swait.ge [sflag:s22], s20  }
0xa0: {  	s5 =	ssub.s32 $0x0, s20;
	[sflag:s22] =	ssyncset.done $0x0  }
0xa1: {  	[sflag:s22] =	ssyncadd.s32 s5;
	_ =	sdelay $0x1  }
0xa2: {  	s23 =	simm.s32 $0x1B8B  }
0xa3: {  	_ =	swait.ge [sflag:s23], $0x1  }
0xa4: {  	[sflag:s23] =	ssyncset.done $0x0  }
0xa5: {  	s25 =	simm.s32 $0x1B8E;
	s24 =	sld [smem:$0x3FFE];
	[sflag:s23] =	ssyncadd.s32 $0xFFFFFFFF  }
0xa6: {  	s26 =	simm.s32 $execute0_lowered;
	[smem:$0x3FD2] =	sst s25  }
0xa7: {  	s6 =	sshll.u32 s26, $0x1;
	_ =	strace $0x80000046;
	[dreg:$0x1] =	wrdreg $0xFFFFFFFF  }
0xa8: {  	s28 =	simm.s32 $_size_execute0_lowered;
	s4 =	sadd.s32 s4, s6;
	[dreg:$0x0] =	wrdreg $0x0  }
0xa9: {  	s6 =	sshll.u32 s28, $0x1;
	[dreg:$0x2] =	wrdreg s4  }
0xaa: {  	[dreg:$0x3] =	wrdreg s6  }
0xab: {  	[dreg:$0x4] =	wrdreg $0xC0  }
0xac: {  	_ =	task [dreg:s8], $0x5FFFF  }
0xad: {  	[dreg:$0x1] =	wrdreg $0xFFFFFFFF  }
0xae: {  	[dreg:$0x0] =	wrdreg $0x60  }
0xaf: {  	[dreg:$0x2] =	wrdreg s2  }
0xb0: {  	[dreg:$0x3] =	wrdreg s18  }
0xb1: {  	[dreg:$0x4] =	wrdreg s24  }
0xb2: {  	[dreg:$0x5] =	wrdreg $0x9  }
0xb3: {  	_ =	task.clear_ibuf [dreg:s8], $0x6FFFF;
	_ =	strace $0x90000046  }
0xb4: {  	s29 =	simm.s32 $0x9;
	_ =	strace $0x80000048  }
0xb5: {  	_ =	swait.ge [sflag:s29], $0x1  }
0xb6: {  	[sflag:s29] =	ssyncadd.s32 $0xFFFFFFFF  }
0xb7: {  	_ =	strace $0x90000048  }
0xb8: {  	_ =	sfence  }
0xb9: {  	s30 =	sld [smem:$0x0];
	_ =	sdelay $0x2  }
0xba: {  	s31 =	sshll.u32 s1, $0xD;
	s1 =	sshrl.u32 s1, $0x2  }
0xbb: {  	s3 =	sand.u32 $0x4000, s31;
	s1 =	sadd.s32 s1, s30  }
0xbc: {  	s0 =	sor.u32 s3, s0;
	s1 =	sshll.u32 s1, $0x11  }
0xbd: {  	s0 =	sor.u32 s1, s0  }
0xbe: {  	s0 =	sadd.s32 $0x8F2B, s0  }
0xbf: {  	[sflag:s0] =	ssyncadd.remote.s32 $0x1  }
0xc0: {  	_ =	sfence.sel $0xFFFF  }
0xc1: {  	[dreg:$0x0] =	wrdreg $0xFFFFFFFF;
	(pc) =	sbr.abs _section_cstart, $3  }
0xc2: {  	[dreg:$0x1] =	wrdreg $0xFFFFFFFF  }
0xc3: {  	_ =	task.clear_ibuf [dreg:s8], $0x2FFFF;
	_ =	strace $0x9FFFFFFF  }
0xc4: {  	(tm) =	ssettm $0x7FFFFFFF  }
0xc5: {  	_ =	shalt  }
tec
execute0_lowered:
.L_overlay_start_1:
0x0: {  	(tag) =	ssettag $0x1  }
0x1: {  	s1 =	rddreg [dreg:$0x0]  }
0x2: {  	s0 =	srdreg.scid;
	s3 =	rddreg [dreg:$0x1]  }
0x3: {  	s6 =	stileid.u32;
	s5 =	rddreg [dreg:$0x2];
	s4 =	simm.s32 $0x0  }
0x4: {  	s20 =	simm.s32 $0x2000;
	s21 =	simm.s32 $0x6000;
	s22 =	simm.s32 $0xA000  }
0x5: {  	s28 =	simm.s32 $0x10200;
	s0 =	sand.u32 $0x1, s0;
	s2 =	sshll.u32 s6, $0x1  }
0x6: {  	s29 =	simm.s32 $0x2;
	s30 =	simm.s32 $0x3;
	s2 =	sor.u32 s0, s2  }
0x7: {  	[smem:$0x7FF] =	sst s4;
	s7 =	ssub.s32 $0x2, s0;
	s2 =	smul.u32 $0x1E0, s2  }
0x8: {  	s31 =	simm.s32 $0x0;
	_ =	strace $0x80000047;
	s9 =	sshrl.u32 s7, $0x1  }
0x9: {  	s8 =	sshll.u32 s0, $0x11;
	s16 =	ssub.s32 s7, s9;
	s2 =	sshrl.u32 s2, $0x3  }
0xa: {  	s7 =	sshll.u32 s0, $0x8;
	s2 =	sadd.s32 s2, s5;
	s5 =	smul.u32 $0xC0000, s6  }
0xb: {  	s12 =	sor.u32 $0x20, s7;
	s16 =	smax.u32 s16, $0x1;
	s6 =	sshll.u32 s6, $0x12  }
0xc: {  	s10 =	sor.u32 s8, s6;
	s13 =	sadd.s32 $0x400, s2;
	s8 =	sor.u32 s8, s5  }
0xd: {  	s14 =	sadd.s32 $0x414, s2;
	s23 =	sshrl.u32 s10, $0x3;
	s8 =	sshrl.u32 s8, $0x3  }
0xe: {  	s15 =	sadd.s32 $0x428, s2;
	s24 =	sadd.s32 s1, s23;
	s9 =	sadd.s32 s3, s8  }
0xf: {  	s23 =	simm.s32 $0xE000;
	[dreg:$0x4] =	wrdreg s24;
	s25 =	sadd.s32 $0x8000, s9  }
0x10: {  	s24 =	simm.s32 $0x1;
	s26 =	sadd.s32 $0x10000, s9;
	[dreg:$0x5] =	wrdreg s25  }
0x11: {  	v0 =	vimm.f32 $0.0e+00;
	v1 =	vimm.f32 $1.000000000e+00;
	v2 =	vlaneseq.u32;
	[dreg:$0x6] =	wrdreg s26;
	s25 =	simm.s32 $0x10000;
	s26 =	simm.s32 $0x10100  }
.LBB2_1:
0x12: {  	[tilespmem:$0x10000] =	vst v0  }
0x13: {  	[tilespmem:$0x10100] =	vst v0  }
0x14: {  	[tilespmem:$0x10200] =	vst v0  }
0x15: {  	[tilespmem:$0x10010] =	vst v0  }
0x16: {  	[tilespmem:$0x10110] =	vst v0  }
0x17: {  	[tilespmem:$0x10210] =	vst v0  }
0x18: {  	[tilespmem:$0x10020] =	vst v0  }
0x19: {  	[tilespmem:$0x10120] =	vst v0  }
0x1a: {  	[tilespmem:$0x10220] =	vst v0  }
0x1b: {  	[tilespmem:$0x10030] =	vst v0  }
0x1c: {  	[tilespmem:$0x10130] =	vst v0  }
0x1d: {  	[tilespmem:$0x10230] =	vst v0  }
0x1e: {  	[tilespmem:$0x10040] =	vst v0  }
0x1f: {  	[tilespmem:$0x10140] =	vst v0  }
0x20: {  	[tilespmem:$0x10240] =	vst v0  }
0x21: {  	[tilespmem:$0x10050] =	vst v0  }
0x22: {  	[tilespmem:$0x10150] =	vst v0  }
0x23: {  	[tilespmem:$0x10250] =	vst v0  }
0x24: {  	[tilespmem:$0x10060] =	vst v0  }
0x25: {  	[tilespmem:$0x10160] =	vst v0  }
0x26: {  	[tilespmem:$0x10260] =	vst v0  }
0x27: {  	[tilespmem:$0x10070] =	vst v0  }
0x28: {  	[tilespmem:$0x10170] =	vst v0  }
0x29: {  	[tilespmem:$0x10270] =	vst v0  }
0x2a: {  	[tilespmem:$0x10080] =	vst v0  }
0x2b: {  	[tilespmem:$0x10180] =	vst v0  }
0x2c: {  	[tilespmem:$0x10280] =	vst v0  }
0x2d: {  	[tilespmem:$0x10090] =	vst v0  }
0x2e: {  	[tilespmem:$0x10190] =	vst v0  }
0x2f: {  	[tilespmem:$0x10290] =	vst v0;
	s0 =	rddreg [dreg:$0x4]  }
0x30: {  	[tilespmem:s4], [sflag:$0x1] =	stream.linear.gather [hbm4b:s0+s4], $0x2000, $0x38;
	[tilespmem:$0x10300] =	vst v63  }
0x31: {  	s11 =	simm.s32 $0x4000  }
0x32: {  	[tilespmem:s11], [sflag:$0x1] =	stream.linear.gather [hbm4b:s9+s4], $0x2000, $0x38;
	[tilespmem:$0x10300] =	vst v63  }
0x33: {  	s17 =	rddreg [dreg:$0x5];
	s2 =	simm.s32 $0x8000  }
0x34: {  	[tilespmem:s2], [sflag:$0x1] =	stream.linear.gather [hbm4b:s17+s4], $0x2000, $0x38;
	[tilespmem:$0x10300] =	vst v63  }
0x35: {  	s18 =	rddreg [dreg:$0x6];
	s19 =	simm.s32 $0xC000;
	s2 =	simm.s32 $0x0  }
0x36: {  	[tilespmem:s19], [sflag:$0x1] =	stream.linear.gather [hbm4b:s18+s4], $0x2000, $0x38;
	[tilespmem:$0x10300] =	vst v63  }
.LBB2_2:
0x37: {  	s0 =	sshll.u32 s2, $0x5  }
0x38: {  	s8 =	sor.u32 s0, s7  }
0x39: {  	s8 =	sshll.u32 s8, $0x9  }
0x3a: {  	s8 =	sor.u32 $0x2000, s8  }
0x3b: {  	s17 =	sor.u32 s6, s8  }
0x3c: {  	s8 =	sor.u32 s5, s8;
	s17 =	sshrl.u32 s17, $0x3  }
0x3d: {  	s8 =	sshrl.u32 s8, $0x3;
	s18 =	sadd.s32 s1, s17;
	s17 =	simm.s32 $0x0  }
0x3e: {  	[tilespmem:s20], [sflag:$0x2] =	stream.linear.gather [hbm4b:s18+s17], $0x2000, $0x38;
	[tilespmem:$0x10300] =	vst v63  }
0x3f: {  	s8 =	sadd.s32 s3, s8  }
0x40: {  	[tilespmem:s21], [sflag:$0x2] =	stream.linear.gather [hbm4b:s8+s17], $0x2000, $0x38;
	[tilespmem:$0x10300] =	vst v63  }
0x41: {  	s11 =	sadd.s32 $0x8000, s8  }
0x42: {  	[tilespmem:s22], [sflag:$0x2] =	stream.linear.gather [hbm4b:s11+s17], $0x2000, $0x38;
	[tilespmem:$0x10300] =	vst v63  }
0x43: {  	s8 =	sadd.s32 $0x10000, s8  }
0x44: {  	[tilespmem:s23], [sflag:$0x2] =	stream.linear.gather [hbm4b:s8+s17], $0x2000, $0x38;
	[tilespmem:$0x10300] =	vst v63  }
0x45: {  	_ =	swait.ge [sflag:s24], $0x2000  }
0x46: {  	[sflag:s24] =	ssyncset.done $0x0  }
0x47: {  	[sflag:s24] =	ssyncadd.s32 $0xFFFFE000  }
0x48: {  	_ =	swait.ge [sflag:s24], $0x2000  }
0x49: {  	[sflag:s24] =	ssyncset.done $0x0  }
0x4a: {  	[sflag:s24] =	ssyncadd.s32 $0xFFFFE000  }
0x4b: {  	_ =	swait.ge [sflag:s24], $0x2000  }
0x4c: {  	s19 =	simm.s32 $0x0;
	s10 =	simm.s32 $0x0;
	[sflag:s24] =	ssyncset.done $0x0  }
0x4d: {  	s8 =	sand.u32 $0x1000, s19;
	s19 =	sand.u32 $0xC00, s17;
	[sflag:s24] =	ssyncadd.s32 $0xFFFFE000  }
0x4e: {  	s18 =	sand.u32 $0x380, s10;
	s8 =	sor.u32 s19, s8;
	_ =	swait.ge [sflag:s24], $0x2000  }
0x4f: {  	s11 =	sand.u32 $0x40, s17;
	s8 =	sor.u32 s18, s8;
	[sflag:s24] =	ssyncset.done $0x0  }
0x50: {  	s8 =	sor.u32 s11, s8;
	[sflag:s24] =	ssyncadd.s32 $0xFFFFE000  }
0x51: {  	v4 =	vld [tilespmem:s8+$0x4030]  }
0x52: {  	v5 =	vld [tilespmem:s8+$0x4000]  }
0x53: {  	v10 =	vld [tilespmem:s8+$0x0]  }
0x54: {  	v15 =	vld [tilespmem:s8+$0x8030]  }
0x55: {  	v6 =	vld [tilespmem:s8+$0x8020]  }
0x56: {  	v12 =	vld [tilespmem:s8+$0x10]  }
0x57: {  	v14 =	vld [tilespmem:s8+$0x20]  }
0x58: {  	v18 =	vld [tilespmem:s8+$0x30];
	_ =	sdelay $0x1  }
0x59: {  	v3 =	vld [tilespmem:s8+$0xC020];
	v4 =	vsub.f32 $1.000000000e+00, v4;
	v7 =	vsub.f32 $1.000000000e+00, v5;
	v9 =	vand.u32 $0x7FFFFF, v10  }
0x5a: {  	vm0 =	vgt.f32 v15, $0.0e+00;
	v13 =	vcvt.s32.f32 v10;
	v16 =	vsub.f32 $1.000000000e+00, v10  }
0x5b: {  	v22 =	vsub.f32 $1.000000000e+00, v12;
	v23 =	vcvt.s32.f32 v12;
	v24 =	vmul.f32 v6, v14  }
0x5c: {  	v26 =	vsub.f32 $1.000000000e+00, v18;
	v9 =	vor.u32 $0x3F800000, v9;
	v4 =	vmul.f32 v4, v4  }
0x5d: {  	v7 =	vmul.f32 v7, v7;
	v17 =	vadd.f32 $-1.000000000e+00, v9;
	v21 =	vmul.f32 $8.262958320e-08, v13  }
0x5e: {  	v5 =	vld [tilespmem:s8+$0x8000];
	v20 =	vand.u32 $0x7FFFFF, v16;
	v16 =	vcvt.s32.f32 v16;
	v24 =	vsub.f32 v24, v3  }
0x5f: {  	v8 =	vld [tilespmem:s8+$0x8010];
	v29 =	vand.u32 $0x7FFFFF, v22;
	v27 =	vcvt.s32.f32 v26;
	v23 =	vmul.f32 $8.262958320e-08, v23  }
0x60: {  	v20 =	vor.u32 $0x3F800000, v20;
	v29 =	vor.u32 $0x3F800000, v29;
	v7 =	vmul.f32 v7, v7  }
0x61: {  	v11 =	vmul.f32 v4, v4;
	v4 =	vsub.f32 v6, v3;
	v19 =	vmul.f32 $2.335083190e-01, v17  }
0x62: {  	v9 =	vld [tilespmem:s8+$0xC010];
	v20 =	vadd.f32 $-1.000000000e+00, v20;
	v31 =	vmul.f32 $8.262958320e-08, v16;
	v16 =	vand.u32 $0x7FFFFF, v26  }
0x63: {  	v26 =	vcvt.s32.f32 v22;
	v13 =	vmul.f32 v5, v10;
	v10 =	vand.u32 $0x7FFFFF, v12  }
0x64: {  	v12 =	vmul.f32 v8, v12;
	v22 =	vor.u32 $0x3F800000, v16;
	v16 =	vand.u32 $0x7FFFFFFF, v24  }
0x65: {  	v25 =	vor.u32 $0x3F800000, v10;
	v28 =	vmul.f32 $2.335083190e-01, v20;
	v19 =	vsub.f32 $2.225949910e-01, v19  }
0x66: {  	v32 =	vmul.f32 $1.000000000e+01, v16;
	v16 =	vld [tilespmem:s8+$0xC030];
	v36 =	vadd.f32 $-1.000000000e+00, v22;
	v22 =	vadd.f32 $-1.000000000e+00, v29  }
0x67: {  	v24 =	vmul.f32 v15, v18;
	v10 =	vsub.f32 v8, v9;
	v25 =	vadd.f32 $-1.000000000e+00, v25  }
0x68: {  	v29 =	vsub.f32 v12, v9;
	v28 =	vsub.f32 $2.225949910e-01, v28;
	v17 =	vmul.f32 v19, v17  }
0x69: {  	v19 =	vsub.f32 $1.000000000e+00, v14;
	v32 =	vtrunc.f32 v32;
	v30 =	vmul.f32 $2.335083190e-01, v25  }
0x6a: {  	v37 =	vand.u32 $0x7FFFFFFF, v29;
	v28 =	vmul.f32 v28, v20;
	v20 =	vmul.f32 $8.262958320e-08, v26  }
0x6b: {  	v12 =	vcvt.s32.f32 v19;
	v34 =	vsub.f32 $2.225949910e-01, v30;
	v24 =	vsub.f32 v24, v16  }
0x6c: {  	v19 =	vand.u32 $0x7FFFFF, v19;
	v35 =	vadd.f32 $-8.802342990e+01, v17;
	v26 =	vadd.f32 $-8.802342990e+01, v28  }
0x6d: {  	v37 =	vmul.f32 $1.000000000e+01, v37;
	v25 =	vmul.f32 v34, v25;
	v24 =	vand.u32 $0x7FFFFFFF, v24  }
0x6e: {  	v33 =	vadd.f32 v26, v31;
	v26 =	vand.u32 $0x7FFFFF, v14;
	v24 =	vmul.f32 $1.000000000e+01, v24  }
0x6f: {  	v19 =	vor.u32 $0x3F800000, v19;
	v31 =	vor.u32 $0x3F800000, v26;
	v29 =	vadd.f32 $-8.802342990e+01, v25  }
0x70: {  	v26 =	vadd.f32 $-1.000000000e+00, v19;
	v25 =	vsub.f32 v15, v16;
	v15 =	vtrunc.f32 v24  }
0x71: {  	v29 =	vadd.f32 v29, v23;
	v23 =	vmul.f32 $2.335083190e-01, v36;
	v38 =	vcvt.f32.s32 v15;
	v15 =	vld [tilespmem:s8+$0xC000]  }
0x72: {  	v30 =	vmul.f32 $2.335083190e-01, v22;
	v28 =	vcvt.f32.s32 v32;
	v24 =	vadd.f32 $-1.000000000e+00, v31  }
0x73: {  	v19 =	vand.u32 $0x7FFFFF, v18;
	v63 =	vmul.f32 $2.335083190e-01, v26;
	v23 =	vsub.f32 $2.225949910e-01, v23  }
0x74: {  	v17 =	vld [tilespmem:s8+$0x4010];
	v34 =	vor.u32 $0x3F800000, v19;
	v31 =	vmul.f32 $2.335083190e-01, v24;
	v38 =	vshll.u32 v38, $0x4  }
0x75: {  	s19 =	simm.s32 $0x0;
	s18 =	simm.s32 $0x0;
	v19 =	vld [tilespmem:s8+$0x4020];
	v32 =	vsub.f32 $2.225949910e-01, v63;
	v36 =	vmul.f32 v23, v36;
	v23 =	vor.u32 v2, v38  }
.LBB2_3:
0x76: {  	s18 =	sadd.s32 $0x4, s18;
	v21 =	vadd.f32 v35, v21;
	v35 =	vsub.f32 v5, v15;
	v18 =	vcvt.s32.f32 v18;
	s17 =	sadd.s32 $0x200, s17;
	s19 =	sadd.s32 $0x40, s19  }
0x77: {  	v27 =	vmul.f32 $8.262958320e-08, v27;
	s8 =	sshll.u32 s18, $0x4;
	s10 =	sshll.u32 s18, $0x2;
	p0 =	slt.u32 s18, $0x1FC;
	v37 =	vtrunc.f32 v37;
	v36 =	vadd.f32 $-8.802342990e+01, v36  }
0x78: {  	v34 =	vadd.f32 $-1.000000000e+00, v34;
	s11 =	sand.u32 $0xC00, s17;
	s8 =	sand.u32 $0x1000, s8;
	v33 =	vmul.f32 v33, v35;
	v35 =	vcvt.f32.s32 v37  }
0x79: {  	v14 =	vcvt.s32.f32 v14;
	s10 =	sand.u32 $0x380, s10;
	v37 =	vmul.f32 v21, v15;
	s8 =	sor.u32 s11, s8;
	v21 =	vadd.f32 v36, v27  }
0x7a: {  	v17 =	vsub.f32 $1.000000000e+00, v17;
	s11 =	sand.u32 $0x40, s19;
	s8 =	sor.u32 s10, s8;
	v27 =	vshll.u32 v35, $0x4;
	v35 =	vmul.f32 $2.335083190e-01, v34;
	[tilespmem:v23+s25+$0x0] =	vst.idx.add.f32.msk vm0, v1  }
0x7b: {  	v19 =	vsub.f32 $1.000000000e+00, v19;
	s8 =	sor.u32 s11, s8;
	v27 =	vor.u32 v2, v27;
	v21 =	vmul.f32 v21, v25  }
0x7c: {  	vm2 =	vgt.f32 v8, $0.0e+00;
	v38 =	vmul.f32 v17, v17;
	v36 =	vld [tilespmem:s8+$0xC020];
	v8 =	vsub.f32 $2.225949910e-01, v35  }
0x7d: {  	v17 =	vsub.f32 $2.225949910e-01, v30;
	v19 =	vmul.f32 v19, v19;
	v25 =	vld [tilespmem:s8+$0x8030];
	v21 =	vmul.f32 v21, v11  }
0x7e: {  	v30 =	vmul.f32 v33, v7;
	v7 =	vshll.u32 v28, $0x4;
	v11 =	vld [tilespmem:s8+$0x8020];
	v8 =	vmul.f32 v8, v34  }
0x7f: {  	vm3 =	vmmov vm0;
	v17 =	vmul.f32 v17, v22;
	v22 =	vmul.f32 v19, v19;
	v28 =	vld [tilespmem:s8+$0xC000]  }
0x80: {  	v29 =	vmul.f32 v29, v9;
	v9 =	vmul.f32 $8.262958320e-08, v18;
	v33 =	vld [tilespmem:s8+$0x4030];
	v8 =	vadd.f32 $-8.802342990e+01, v8  }
0x81: {  	v13 =	vsub.f32 v13, v15;
	vm1 =	vgt.f32 v6, $0.0e+00;
	v39 =	vadd.f32 $-8.802342990e+01, v17;
	v18 =	vld [tilespmem:s8+$0x4000]  }
0x82: {  	v35 =	vmul.f32 $8.262958320e-08, v14;
	v34 =	vmul.f32 v38, v38;
	v17 =	vld [tilespmem:s8+$0x4010];
	v38 =	vadd.f32 v8, v9  }
0x83: {  	v8 =	vand.u32 $0x7FFFFFFF, v13;
	v9 =	vadd.f32 v39, v20;
	v13 =	vmul.f32 v32, v26;
	[tilespmem:v27+s25+$0x0] =	vst.idx.add.f32.msk vm2, v1  }
0x84: {  	v14 =	vmul.f32 $1.000000000e+01, v8;
	v6 =	vmovc v11;
	v19 =	vld [tilespmem:s8+$0x4020];
	v16 =	vmul.f32 v38, v16;
	v15 =	vmov v28  }
0x85: {  	v9 =	vmul.f32 v9, v10;
	v10 =	vsub.f32 $2.225949910e-01, v31;
	v20 =	vld [tilespmem:s8+$0x0];
	v11 =	vsub.f32 $1.000000000e+00, v33  }
0x86: {  	v26 =	vadd.f32 $-8.802342990e+01, v13;
	v14 =	vtrunc.f32 v14;
	v18 =	vsub.f32 $1.000000000e+00, v18;
	v8 =	vld [tilespmem:s8+$0x8010]  }
0x87: {  	v31 =	vor.u32 v2, v7;
	v13 =	vcvt.f32.s32 v14;
	v28 =	vld [tilespmem:s8+$0x10];
	v11 =	vmul.f32 v11, v11  }
0x88: {  	vm4 =	vgt.f32 v5, $0.0e+00;
	v10 =	vmul.f32 v10, v24;
	v7 =	vmul.f32 v18, v18;
	v5 =	vld [tilespmem:s8+$0x8000]  }
0x89: {  	vm0 =	vgt.f32 v25, $0.0e+00;
	v24 =	vmul.f32 v9, v34;
	v13 =	vshll.u32 v13, $0x4;
	v14 =	vld [tilespmem:s8+$0x20]  }
0x8a: {  	v10 =	vadd.f32 $-8.802342990e+01, v10;
	v32 =	vor.u32 v2, v13;
	v9 =	vand.u32 $0x7FFFFF, v20;
	v18 =	vld [tilespmem:s8+$0x30]  }
0x8b: {  	v7 =	vmul.f32 v7, v7;
	v13 =	vcvt.s32.f32 v20;
	v9 =	vor.u32 $0x3F800000, v9;
	[tilespmem:v23+s26+$0x0] =	vst.idx.add.f32.msk vm3, v16  }
0x8c: {  	v11 =	vmul.f32 v11, v11;
	v10 =	vadd.f32 v10, v35;
	v33 =	vadd.f32 $-1.000000000e+00, v9;
	[tilespmem:v23+s28+$0x0] =	vst.idx.add.f32.msk vm3, v21  }
0x8d: {  	v12 =	vmul.f32 $8.262958320e-08, v12;
	v16 =	vsub.f32 v6, v36;
	v21 =	vmul.f32 $8.262958320e-08, v13;
	v9 =	vld [tilespmem:s8+$0xC010]  }
0x8e: {  	v34 =	vsub.f32 $1.000000000e+00, v20;
	v10 =	vmul.f32 v10, v3;
	v3 =	vmovc v36;
	v23 =	vmul.f32 $2.335083190e-01, v33;
	[tilespmem:v31+s25+$0x0] =	vst.idx.add.f32.msk vm1, v1  }
0x8f: {  	v35 =	vsub.f32 $1.000000000e+00, v28;
	v13 =	vmul.f32 v5, v20;
	v20 =	vand.u32 $0x7FFFFF, v28;
	[tilespmem:v32+s25+$0x0] =	vst.idx.add.f32.msk vm4, v1  }
0x90: {  	v36 =	vand.u32 $0x7FFFFF, v34;
	v38 =	vcvt.s32.f32 v28;
	v39 =	vmul.f32 v6, v14;
	[tilespmem:v32+s26+$0x0] =	vst.idx.add.f32.msk vm4, v37  }
0x91: {  	v12 =	vadd.f32 v26, v12;
	v36 =	vor.u32 $0x3F800000, v36;
	v28 =	vmul.f32 v8, v28;
	[tilespmem:v27+s26+$0x0] =	vst.idx.add.f32.msk vm2, v29  }
0x92: {  	v26 =	vadd.f32 $-1.000000000e+00, v36;
	v20 =	vor.u32 $0x3F800000, v20;
	v29 =	vsub.f32 $1.000000000e+00, v18;
	[tilespmem:v31+s26+$0x0] =	vst.idx.add.f32.msk vm1, v10  }
0x93: {  	v34 =	vcvt.s32.f32 v34;
	v36 =	vsub.f32 v39, v3;
	v10 =	vsub.f32 v8, v9;
	[tilespmem:v27+s28+$0x0] =	vst.idx.add.f32.msk vm2, v24  }
0x94: {  	v37 =	vand.u32 $0x7FFFFF, v35;
	v24 =	vmul.f32 $2.335083190e-01, v26;
	v27 =	vcvt.s32.f32 v29;
	[tilespmem:v32+s28+$0x0] =	vst.idx.add.f32.msk vm4, v30  }
0x95: {  	v23 =	vsub.f32 $2.225949910e-01, v23;
	v29 =	vand.u32 $0x7FFFFF, v29;
	v32 =	vmul.f32 $8.262958320e-08, v34  }
0x96: {  	v12 =	vmul.f32 v12, v4;
	v4 =	vmovc v16;
	v30 =	vcvt.s32.f32 v35;
	v29 =	vor.u32 $0x3F800000, v29  }
0x97: {  	v16 =	vand.u32 $0x7FFFFFFF, v36;
	v34 =	vadd.f32 $-1.000000000e+00, v20;
	v35 =	vmul.f32 v25, v18  }
0x98: {  	v12 =	vmul.f32 v12, v22;
	v20 =	vsub.f32 $2.225949910e-01, v24;
	v24 =	vor.u32 $0x3F800000, v37  }
0x99: {  	v37 =	vmul.f32 $1.000000000e+01, v16;
	v39 =	vadd.f32 $-1.000000000e+00, v29;
	v36 =	vmul.f32 $2.335083190e-01, v34;
	v16 =	vld [tilespmem:s8+$0xC030]  }
0x9a: {  	v23 =	vmul.f32 v23, v33;
	v22 =	vadd.f32 $-1.000000000e+00, v24;
	v24 =	vsub.f32 $1.000000000e+00, v14;
	[tilespmem:v31+s28+$0x0] =	vst.idx.add.f32.msk vm1, v12  }
0x9b: {  	v28 =	vsub.f32 v28, v9;
	v26 =	vmul.f32 v20, v26;
	v29 =	vtrunc.f32 v37  }
0x9c: {  	v20 =	vmul.f32 $8.262958320e-08, v30;
	v31 =	vsub.f32 $2.225949910e-01, v36;
	v12 =	vcvt.s32.f32 v24  }
0x9d: {  	v26 =	vadd.f32 $-8.802342990e+01, v26;
	v36 =	vand.u32 $0x7FFFFFFF, v28;
	v28 =	vcvt.f32.s32 v29  }
0x9e: {  	v30 =	vmul.f32 $2.335083190e-01, v22;
	v24 =	vand.u32 $0x7FFFFF, v24;
	v29 =	vsub.f32 v35, v16  }
0x9f: {  	v33 =	vadd.f32 v26, v32;
	v26 =	vmul.f32 v31, v34;
	v31 =	vand.u32 $0x7FFFFF, v14  }
0xa0: {  	v24 =	vor.u32 $0x3F800000, v24;
	v31 =	vor.u32 $0x3F800000, v31;
	v29 =	vand.u32 $0x7FFFFFFF, v29  }
0xa1: {  	v32 =	vmul.f32 $8.262958320e-08, v38;
	v34 =	vadd.f32 $-8.802342990e+01, v26;
	v35 =	vmul.f32 $1.000000000e+01, v29  }
0xa2: {  	v37 =	vand.u32 $0x7FFFFF, v18;
	v26 =	vadd.f32 $-1.000000000e+00, v24;
	v25 =	vsub.f32 v25, v16  }
.Ltmp0:
0xa3: {  	v38 =	vmul.f32 $2.335083190e-01, v39;
	v29 =	vadd.f32 v34, v32;
	v32 =	vtrunc.f32 v35;
	(pc) =	sbr.rel @p0 .LBB2_3-.Ltmp0, $4  }
0xa4: {  	v24 =	vadd.f32 $-1.000000000e+00, v31;
	v40 =	vmul.f32 $2.335083190e-01, v26;
	v41 =	vcvt.f32.s32 v32  }
0xa5: {  	v34 =	vor.u32 $0x3F800000, v37;
	v35 =	vadd.f32 $-8.802342990e+01, v23;
	v23 =	vsub.f32 $2.225949910e-01, v38  }
0xa6: {  	v31 =	vmul.f32 $2.335083190e-01, v24;
	v32 =	vsub.f32 $2.225949910e-01, v40;
	v38 =	vshll.u32 v41, $0x4  }
0xa7: {  	v37 =	vmul.f32 $1.000000000e+01, v36;
	v36 =	vmul.f32 v23, v39;
	v23 =	vor.u32 v2, v38  }
0xa8: {  	_ = 	snop  }
0xa9: {  	v38 =	vsub.f32 v5, v15;
	v18 =	vcvt.s32.f32 v18;
	v21 =	vadd.f32 v35, v21  }
0xaa: {  	v27 =	vmul.f32 $8.262958320e-08, v27;
	v34 =	vadd.f32 $-1.000000000e+00, v34;
	v17 =	vsub.f32 $1.000000000e+00, v17  }
0xab: {  	v14 =	vcvt.s32.f32 v14;
	v13 =	vsub.f32 v13, v15;
	v19 =	vsub.f32 $1.000000000e+00, v19  }
0xac: {  	vm1 =	vgt.f32 v8, $0.0e+00;
	vm3 =	vmmov vm0;
	v56 =	vmul.f32 $2.335083190e-01, v34  }
0xad: {  	vm2 =	vgt.f32 v6, $0.0e+00;
	[tilespmem:v23+s25+$0x0] =	vst.idx.add.f32.msk vm0, v1;
	vm0 =	vgt.f32 v5, $0.0e+00;
	v55 =	vtrunc.f32 v37  }
0xae: {  	v35 =	vcvt.f32.s32 v55;
	v13 =	vand.u32 $0x7FFFFFFF, v13;
	v57 =	vsub.f32 $2.225949910e-01, v56  }
0xaf: {  	v9 =	vmul.f32 v29, v9;
	v36 =	vadd.f32 $-8.802342990e+01, v36;
	v13 =	vmul.f32 $1.000000000e+01, v13  }
0xb0: {  	v21 =	vmul.f32 v21, v15;
	v35 =	vshll.u32 v35, $0x4;
	v8 =	vmul.f32 v57, v34  }
0xb1: {  	v27 =	vadd.f32 v36, v27;
	v15 =	vor.u32 v2, v35;
	v13 =	vtrunc.f32 v13  }
0xb2: {  	v18 =	vmul.f32 $8.262958320e-08, v18;
	v13 =	vcvt.f32.s32 v13;
	v8 =	vadd.f32 $-8.802342990e+01, v8  }
0xb3: {  	v33 =	vmul.f32 v33, v38;
	v25 =	vmul.f32 v27, v25;
	v27 =	vsub.f32 $2.225949910e-01, v30  }
0xb4: {  	v5 =	vshll.u32 v13, $0x4;
	v6 =	vadd.f32 v8, v18;
	v8 =	vsub.f32 $2.225949910e-01, v31  }
0xb5: {  	v22 =	vmul.f32 v27, v22;
	v11 =	vmul.f32 v25, v11;
	v5 =	vor.u32 v2, v5  }
0xb6: {  	v28 =	vshll.u32 v28, $0x4;
	[tilespmem:v15+s25+$0x0] =	vst.idx.add.f32.msk vm1, v1;
	v6 =	vmul.f32 v6, v16;
	v8 =	vmul.f32 v8, v24  }
0xb7: {  	v13 =	vadd.f32 $-8.802342990e+01, v22;
	v18 =	vor.u32 v2, v28;
	[tilespmem:v15+s26+$0x0] =	vst.idx.add.f32.msk vm1, v9;
	v16 =	vmul.f32 v32, v26  }
0xb8: {  	v17 =	vmul.f32 v17, v17;
	v14 =	vmul.f32 $8.262958320e-08, v14;
	v8 =	vadd.f32 $-8.802342990e+01, v8;
	[tilespmem:v23+s26+$0x0] =	vst.idx.add.f32.msk vm3, v6  }
0xb9: {  	v6 =	vadd.f32 v13, v20;
	v13 =	vadd.f32 $-8.802342990e+01, v16;
	[tilespmem:v23+s28+$0x0] =	vst.idx.add.f32.msk vm3, v11;
	v11 =	vmul.f32 $8.262958320e-08, v12  }
0xba: {  	v19 =	vmul.f32 v19, v19;
	v7 =	vmul.f32 v33, v7;
	[tilespmem:v5+s25+$0x0] =	vst.idx.add.f32.msk vm0, v1  }
0xbb: {  	v8 =	vadd.f32 v8, v14;
	v6 =	vmul.f32 v6, v10;
	v10 =	vadd.f32 v13, v11  }
0xbc: {  	p0 =	seq.s32 s2, $0x7;
	v12 =	vmul.f32 v17, v17;
	[tilespmem:v18+s25+$0x0] =	vst.idx.add.f32.msk vm2, v1;
	v11 =	vmul.f32 v19, v19  }
0xbd: {  	s0 =	sadd.s32 @!p0 s0, s12;
	[tilespmem:v5+s26+$0x0] =	vst.idx.add.f32.msk vm0, v21;
	v3 =	vmul.f32 v8, v3;
	v4 =	vmul.f32 v10, v4  }
0xbe: {  	s0 =	sshll.u32 @!p0 s0, $0x9;
	[tilespmem:v5+s28+$0x0] =	vst.idx.add.f32.msk vm0, v7;
	v6 =	vmul.f32 v6, v12  }
0xbf: {  	s8 =	sadd.s32 @!p0 s6, s0;
	[tilespmem:v18+s26+$0x0] =	vst.idx.add.f32.msk vm2, v3;
	v3 =	vmul.f32 v4, v11  }
0xc0: {  	s0 =	sadd.s32 @!p0 s5, s0;
	s8 =	sshrl.u32 @!p0 s8, $0x3;
	[tilespmem:v15+s28+$0x0] =	vst.idx.add.f32.msk vm1, v6  }
0xc1: {  	s10 =	simm.s32 @!p0 $0x0;
	s0 =	sshrl.u32 @!p0 s0, $0x3;
	s8 =	sadd.s32 @!p0 s1, s8;
	[tilespmem:v18+s28+$0x0] =	vst.idx.add.f32.msk vm2, v3  }
0xc2: {  	[tilespmem:s10], [sflag:$0x1] =	stream.linear.gather @!p0 [hbm4b:s8+s10], $0x2000, $0x38;
	[tilespmem:$0x10300] =	vst v63  }
0xc3: {  	s0 =	sadd.s32 @!p0 s3, s0;
	s8 =	simm.s32 @!p0 $0x4000  }
0xc4: {  	[tilespmem:s8], [sflag:$0x1] =	stream.linear.gather @!p0 [hbm4b:s0+s10], $0x2000, $0x38;
	[tilespmem:$0x10300] =	vst v63  }
0xc5: {  	s11 =	simm.s32 @!p0 $0x8000;
	s8 =	sadd.s32 @!p0 $0x8000, s0  }
0xc6: {  	[tilespmem:s11], [sflag:$0x1] =	stream.linear.gather @!p0 [hbm4b:s8+s10], $0x2000, $0x38;
	[tilespmem:$0x10300] =	vst v63  }
0xc7: {  	s0 =	sadd.s32 @!p0 $0x10000, s0;
	s8 =	simm.s32 @!p0 $0xC000  }
0xc8: {  	[tilespmem:s8], [sflag:$0x1] =	stream.linear.gather @!p0 [hbm4b:s0+s10], $0x2000, $0x38;
	[tilespmem:$0x10300] =	vst v63  }
0xc9: {  	_ =	swait.ge [sflag:s29], $0x2000  }
0xca: {  	[sflag:s29] =	ssyncset.done $0x0  }
0xcb: {  	[sflag:s29] =	ssyncadd.s32 $0xFFFFE000  }
0xcc: {  	_ =	swait.ge [sflag:s29], $0x2000  }
0xcd: {  	[sflag:s29] =	ssyncset.done $0x0  }
0xce: {  	[sflag:s29] =	ssyncadd.s32 $0xFFFFE000  }
0xcf: {  	s17 =	simm.s32 $0x0;
	_ =	swait.ge [sflag:s29], $0x2000  }
0xd0: {  	s11 =	simm.s32 $0x0;
	s0 =	simm.s32 $0x0;
	[sflag:s29] =	ssyncset.done $0x0  }
0xd1: {  	s8 =	sand.u32 $0x1000, s11;
	s18 =	sand.u32 $0xC00, s0;
	[sflag:s29] =	ssyncadd.s32 $0xFFFFE000  }
0xd2: {  	s10 =	sand.u32 $0x380, s17;
	s8 =	sor.u32 s18, s8;
	_ =	swait.ge [sflag:s29], $0x2000  }
0xd3: {  	s19 =	sand.u32 $0x40, s0;
	s8 =	sor.u32 s10, s8;
	[sflag:s29] =	ssyncset.done $0x0  }
0xd4: {  	s8 =	sor.u32 s19, s8;
	[sflag:s29] =	ssyncadd.s32 $0xFFFFE000  }
0xd5: {  	v4 =	vld [tilespmem:s8+$0x6030]  }
0xd6: {  	v5 =	vld [tilespmem:s8+$0x6000]  }
0xd7: {  	v10 =	vld [tilespmem:s8+$0x2000]  }
0xd8: {  	v15 =	vld [tilespmem:s8+$0xA030]  }
0xd9: {  	v6 =	vld [tilespmem:s8+$0xA020]  }
0xda: {  	v12 =	vld [tilespmem:s8+$0x2010]  }
0xdb: {  	v14 =	vld [tilespmem:s8+$0x2020]  }
0xdc: {  	v18 =	vld [tilespmem:s8+$0x2030];
	_ =	sdelay $0x1  }
0xdd: {  	v3 =	vld [tilespmem:s8+$0xE020];
	v4 =	vsub.f32 $1.000000000e+00, v4;
	v7 =	vsub.f32 $1.000000000e+00, v5;
	v9 =	vand.u32 $0x7FFFFF, v10  }
0xde: {  	vm0 =	vgt.f32 v15, $0.0e+00;
	v13 =	vcvt.s32.f32 v10;
	v16 =	vsub.f32 $1.000000000e+00, v10  }
0xdf: {  	v22 =	vsub.f32 $1.000000000e+00, v12;
	v23 =	vcvt.s32.f32 v12;
	v24 =	vmul.f32 v6, v14  }
0xe0: {  	v26 =	vsub.f32 $1.000000000e+00, v18;
	v9 =	vor.u32 $0x3F800000, v9;
	v4 =	vmul.f32 v4, v4  }
0xe1: {  	v7 =	vmul.f32 v7, v7;
	v17 =	vadd.f32 $-1.000000000e+00, v9;
	v21 =	vmul.f32 $8.262958320e-08, v13  }
0xe2: {  	v5 =	vld [tilespmem:s8+$0xA000];
	v20 =	vand.u32 $0x7FFFFF, v16;
	v16 =	vcvt.s32.f32 v16;
	v24 =	vsub.f32 v24, v3  }
0xe3: {  	v8 =	vld [tilespmem:s8+$0xA010];
	v29 =	vand.u32 $0x7FFFFF, v22;
	v27 =	vcvt.s32.f32 v26;
	v23 =	vmul.f32 $8.262958320e-08, v23  }
0xe4: {  	v20 =	vor.u32 $0x3F800000, v20;
	v29 =	vor.u32 $0x3F800000, v29;
	v7 =	vmul.f32 v7, v7  }
0xe5: {  	v11 =	vmul.f32 v4, v4;
	v4 =	vsub.f32 v6, v3;
	v19 =	vmul.f32 $2.335083190e-01, v17  }
0xe6: {  	v9 =	vld [tilespmem:s8+$0xE010];
	v20 =	vadd.f32 $-1.000000000e+00, v20;
	v31 =	vmul.f32 $8.262958320e-08, v16;
	v16 =	vand.u32 $0x7FFFFF, v26  }
0xe7: {  	v26 =	vcvt.s32.f32 v22;
	v13 =	vmul.f32 v5, v10;
	v10 =	vand.u32 $0x7FFFFF, v12  }
0xe8: {  	v12 =	vmul.f32 v8, v12;
	v22 =	vor.u32 $0x3F800000, v16;
	v16 =	vand.u32 $0x7FFFFFFF, v24  }
0xe9: {  	v25 =	vor.u32 $0x3F800000, v10;
	v28 =	vmul.f32 $2.335083190e-01, v20;
	v19 =	vsub.f32 $2.225949910e-01, v19  }
0xea: {  	v58 =	vmul.f32 $1.000000000e+01, v16;
	v16 =	vld [tilespmem:s8+$0xE030];
	v59 =	vadd.f32 $-1.000000000e+00, v22;
	v22 =	vadd.f32 $-1.000000000e+00, v29  }
0xeb: {  	v24 =	vmul.f32 v15, v18;
	v10 =	vsub.f32 v8, v9;
	v25 =	vadd.f32 $-1.000000000e+00, v25  }
0xec: {  	v29 =	vsub.f32 v12, v9;
	v28 =	vsub.f32 $2.225949910e-01, v28;
	v17 =	vmul.f32 v19, v17  }
0xed: {  	v19 =	vsub.f32 $1.000000000e+00, v14;
	v32 =	vtrunc.f32 v58;
	v30 =	vmul.f32 $2.335083190e-01, v25  }
0xee: {  	v61 =	vand.u32 $0x7FFFFFFF, v29;
	v28 =	vmul.f32 v28, v20;
	v20 =	vmul.f32 $8.262958320e-08, v26  }
0xef: {  	v12 =	vcvt.s32.f32 v19;
	v60 =	vsub.f32 $2.225949910e-01, v30;
	v24 =	vsub.f32 v24, v16  }
0xf0: {  	v19 =	vand.u32 $0x7FFFFF, v19;
	v35 =	vadd.f32 $-8.802342990e+01, v17;
	v26 =	vadd.f32 $-8.802342990e+01, v28  }
0xf1: {  	v37 =	vmul.f32 $1.000000000e+01, v61;
	v25 =	vmul.f32 v60, v25;
	v24 =	vand.u32 $0x7FFFFFFF, v24  }
0xf2: {  	v33 =	vadd.f32 v26, v31;
	v26 =	vand.u32 $0x7FFFFF, v14;
	v24 =	vmul.f32 $1.000000000e+01, v24  }
0xf3: {  	v19 =	vor.u32 $0x3F800000, v19;
	v31 =	vor.u32 $0x3F800000, v26;
	v29 =	vadd.f32 $-8.802342990e+01, v25  }
0xf4: {  	v26 =	vadd.f32 $-1.000000000e+00, v19;
	v25 =	vsub.f32 v15, v16;
	v15 =	vtrunc.f32 v24  }
0xf5: {  	v29 =	vadd.f32 v29, v23;
	v23 =	vmul.f32 $2.335083190e-01, v59;
	v63 =	vcvt.f32.s32 v15;
	v15 =	vld [tilespmem:s8+$0xE000]  }
0xf6: {  	v30 =	vmul.f32 $2.335083190e-01, v22;
	v28 =	vcvt.f32.s32 v32;
	v24 =	vadd.f32 $-1.000000000e+00, v31  }
0xf7: {  	v19 =	vand.u32 $0x7FFFFF, v18;
	v62 =	vmul.f32 $2.335083190e-01, v26;
	v23 =	vsub.f32 $2.225949910e-01, v23  }
0xf8: {  	v17 =	vld [tilespmem:s8+$0x6010];
	v34 =	vor.u32 $0x3F800000, v19;
	v31 =	vmul.f32 $2.335083190e-01, v24;
	v38 =	vshll.u32 v63, $0x4  }
0xf9: {  	s17 =	simm.s32 $0x0;
	s18 =	simm.s32 $0x0;
	v19 =	vld [tilespmem:s8+$0x6020];
	v32 =	vsub.f32 $2.225949910e-01, v62;
	v36 =	vmul.f32 v23, v59;
	v23 =	vor.u32 v2, v38  }
.LBB2_5:
0xfa: {  	s17 =	sadd.s32 $0x4, s17;
	v21 =	vadd.f32 v35, v21;
	v35 =	vsub.f32 v5, v15;
	v18 =	vcvt.s32.f32 v18;
	s0 =	sadd.s32 $0x200, s0;
	s18 =	sadd.s32 $0x40, s18  }
0xfb: {  	v27 =	vmul.f32 $8.262958320e-08, v27;
	s8 =	sshll.u32 s17, $0x4;
	s10 =	sshll.u32 s17, $0x2;
	p0 =	slt.u32 s17, $0x1FC;
	v37 =	vtrunc.f32 v37;
	v36 =	vadd.f32 $-8.802342990e+01, v36  }
0xfc: {  	v34 =	vadd.f32 $-1.000000000e+00, v34;
	s11 =	sand.u32 $0xC00, s0;
	s8 =	sand.u32 $0x1000, s8;
	v33 =	vmul.f32 v33, v35;
	v35 =	vcvt.f32.s32 v37  }
0xfd: {  	v14 =	vcvt.s32.f32 v14;
	s10 =	sand.u32 $0x380, s10;
	v37 =	vmul.f32 v21, v15;
	s8 =	sor.u32 s11, s8;
	v21 =	vadd.f32 v36, v27  }
0xfe: {  	v17 =	vsub.f32 $1.000000000e+00, v17;
	s11 =	sand.u32 $0x40, s18;
	s8 =	sor.u32 s10, s8;
	v27 =	vshll.u32 v35, $0x4;
	v35 =	vmul.f32 $2.335083190e-01, v34;
	[tilespmem:v23+s25+$0x0] =	vst.idx.add.f32.msk vm0, v1  }
0xff: {  	v19 =	vsub.f32 $1.000000000e+00, v19;
	s8 =	sor.u32 s11, s8;
	v27 =	vor.u32 v2, v27;
	v21 =	vmul.f32 v21, v25  }
0x100: {  	vm2 =	vgt.f32 v8, $0.0e+00;
	v38 =	vmul.f32 v17, v17;
	v36 =	vld [tilespmem:s8+$0xE020];
	v8 =	vsub.f32 $2.225949910e-01, v35  }
0x101: {  	v17 =	vsub.f32 $2.225949910e-01, v30;
	v19 =	vmul.f32 v19, v19;
	v25 =	vld [tilespmem:s8+$0xA030];
	v21 =	vmul.f32 v21, v11  }
0x102: {  	v30 =	vmul.f32 v33, v7;
	v7 =	vshll.u32 v28, $0x4;
	v11 =	vld [tilespmem:s8+$0xA020];
	v8 =	vmul.f32 v8, v34  }
0x103: {  	vm3 =	vmmov vm0;
	v17 =	vmul.f32 v17, v22;
	v22 =	vmul.f32 v19, v19;
	v28 =	vld [tilespmem:s8+$0xE000]  }
0x104: {  	v29 =	vmul.f32 v29, v9;
	v9 =	vmul.f32 $8.262958320e-08, v18;
	v33 =	vld [tilespmem:s8+$0x6030];
	v8 =	vadd.f32 $-8.802342990e+01, v8  }
0x105: {  	v13 =	vsub.f32 v13, v15;
	vm1 =	vgt.f32 v6, $0.0e+00;
	v39 =	vadd.f32 $-8.802342990e+01, v17;
	v18 =	vld [tilespmem:s8+$0x6000]  }
0x106: {  	v35 =	vmul.f32 $8.262958320e-08, v14;
	v34 =	vmul.f32 v38, v38;
	v17 =	vld [tilespmem:s8+$0x6010];
	v38 =	vadd.f32 v8, v9  }
0x107: {  	v8 =	vand.u32 $0x7FFFFFFF, v13;
	v9 =	vadd.f32 v39, v20;
	v13 =	vmul.f32 v32, v26;
	[tilespmem:v27+s25+$0x0] =	vst.idx.add.f32.msk vm2, v1  }
0x108: {  	v14 =	vmul.f32 $1.000000000e+01, v8;
	v6 =	vmovc v11;
	v19 =	vld [tilespmem:s8+$0x6020];
	v16 =	vmul.f32 v38, v16;
	v15 =	vmov v28  }
0x109: {  	v9 =	vmul.f32 v9, v10;
	v10 =	vsub.f32 $2.225949910e-01, v31;
	v20 =	vld [tilespmem:s8+$0x2000];
	v11 =	vsub.f32 $1.000000000e+00, v33  }
0x10a: {  	v26 =	vadd.f32 $-8.802342990e+01, v13;
	v14 =	vtrunc.f32 v14;
	v18 =	vsub.f32 $1.000000000e+00, v18;
	v8 =	vld [tilespmem:s8+$0xA010]  }
0x10b: {  	v31 =	vor.u32 v2, v7;
	v13 =	vcvt.f32.s32 v14;
	v28 =	vld [tilespmem:s8+$0x2010];
	v11 =	vmul.f32 v11, v11  }
0x10c: {  	vm4 =	vgt.f32 v5, $0.0e+00;
	v10 =	vmul.f32 v10, v24;
	v7 =	vmul.f32 v18, v18;
	v5 =	vld [tilespmem:s8+$0xA000]  }
0x10d: {  	vm0 =	vgt.f32 v25, $0.0e+00;
	v24 =	vmul.f32 v9, v34;
	v13 =	vshll.u32 v13, $0x4;
	v14 =	vld [tilespmem:s8+$0x2020]  }
0x10e: {  	v10 =	vadd.f32 $-8.802342990e+01, v10;
	v32 =	vor.u32 v2, v13;
	v9 =	vand.u32 $0x7FFFFF, v20;
	v18 =	vld [tilespmem:s8+$0x2030]  }
0x10f: {  	v7 =	vmul.f32 v7, v7;
	v13 =	vcvt.s32.f32 v20;
	v9 =	vor.u32 $0x3F800000, v9;
	[tilespmem:v23+s26+$0x0] =	vst.idx.add.f32.msk vm3, v16  }
0x110: {  	v11 =	vmul.f32 v11, v11;
	v10 =	vadd.f32 v10, v35;
	v33 =	vadd.f32 $-1.000000000e+00, v9;
	[tilespmem:v23+s28+$0x0] =	vst.idx.add.f32.msk vm3, v21  }
0x111: {  	v12 =	vmul.f32 $8.262958320e-08, v12;
	v16 =	vsub.f32 v6, v36;
	v21 =	vmul.f32 $8.262958320e-08, v13;
	v9 =	vld [tilespmem:s8+$0xE010]  }
0x112: {  	v34 =	vsub.f32 $1.000000000e+00, v20;
	v10 =	vmul.f32 v10, v3;
	v3 =	vmovc v36;
	v23 =	vmul.f32 $2.335083190e-01, v33;
	[tilespmem:v31+s25+$0x0] =	vst.idx.add.f32.msk vm1, v1  }
0x113: {  	v35 =	vsub.f32 $1.000000000e+00, v28;
	v13 =	vmul.f32 v5, v20;
	v20 =	vand.u32 $0x7FFFFF, v28;
	[tilespmem:v32+s25+$0x0] =	vst.idx.add.f32.msk vm4, v1  }
0x114: {  	v36 =	vand.u32 $0x7FFFFF, v34;
	v38 =	vcvt.s32.f32 v28;
	v39 =	vmul.f32 v6, v14;
	[tilespmem:v32+s26+$0x0] =	vst.idx.add.f32.msk vm4, v37  }
0x115: {  	v12 =	vadd.f32 v26, v12;
	v36 =	vor.u32 $0x3F800000, v36;
	v28 =	vmul.f32 v8, v28;
	[tilespmem:v27+s26+$0x0] =	vst.idx.add.f32.msk vm2, v29  }
0x116: {  	v26 =	vadd.f32 $-1.000000000e+00, v36;
	v20 =	vor.u32 $0x3F800000, v20;
	v29 =	vsub.f32 $1.000000000e+00, v18;
	[tilespmem:v31+s26+$0x0] =	vst.idx.add.f32.msk vm1, v10  }
0x117: {  	v34 =	vcvt.s32.f32 v34;
	v36 =	vsub.f32 v39, v3;
	v10 =	vsub.f32 v8, v9;
	[tilespmem:v27+s28+$0x0] =	vst.idx.add.f32.msk vm2, v24  }
0x118: {  	v37 =	vand.u32 $0x7FFFFF, v35;
	v24 =	vmul.f32 $2.335083190e-01, v26;
	v27 =	vcvt.s32.f32 v29;
	[tilespmem:v32+s28+$0x0] =	vst.idx.add.f32.msk vm4, v30  }
0x119: {  	v23 =	vsub.f32 $2.225949910e-01, v23;
	v29 =	vand.u32 $0x7FFFFF, v29;
	v32 =	vmul.f32 $8.262958320e-08, v34  }
0x11a: {  	v12 =	vmul.f32 v12, v4;
	v4 =	vmovc v16;
	v30 =	vcvt.s32.f32 v35;
	v29 =	vor.u32 $0x3F800000, v29  }
0x11b: {  	v16 =	vand.u32 $0x7FFFFFFF, v36;
	v34 =	vadd.f32 $-1.000000000e+00, v20;
	v35 =	vmul.f32 v25, v18  }
0x11c: {  	v12 =	vmul.f32 v12, v22;
	v20 =	vsub.f32 $2.225949910e-01, v24;
	v24 =	vor.u32 $0x3F800000, v37  }
0x11d: {  	v37 =	vmul.f32 $1.000000000e+01, v16;
	v39 =	vadd.f32 $-1.000000000e+00, v29;
	v36 =	vmul.f32 $2.335083190e-01, v34;
	v16 =	vld [tilespmem:s8+$0xE030]  }
0x11e: {  	v23 =	vmul.f32 v23, v33;
	v22 =	vadd.f32 $-1.000000000e+00, v24;
	v24 =	vsub.f32 $1.000000000e+00, v14;
	[tilespmem:v31+s28+$0x0] =	vst.idx.add.f32.msk vm1, v12  }
0x11f: {  	v28 =	vsub.f32 v28, v9;
	v26 =	vmul.f32 v20, v26;
	v29 =	vtrunc.f32 v37  }
0x120: {  	v20 =	vmul.f32 $8.262958320e-08, v30;
	v31 =	vsub.f32 $2.225949910e-01, v36;
	v12 =	vcvt.s32.f32 v24  }
0x121: {  	v26 =	vadd.f32 $-8.802342990e+01, v26;
	v36 =	vand.u32 $0x7FFFFFFF, v28;
	v28 =	vcvt.f32.s32 v29  }
0x122: {  	v30 =	vmul.f32 $2.335083190e-01, v22;
	v24 =	vand.u32 $0x7FFFFF, v24;
	v29 =	vsub.f32 v35, v16  }
0x123: {  	v33 =	vadd.f32 v26, v32;
	v26 =	vmul.f32 v31, v34;
	v31 =	vand.u32 $0x7FFFFF, v14  }
0x124: {  	v24 =	vor.u32 $0x3F800000, v24;
	v31 =	vor.u32 $0x3F800000, v31;
	v29 =	vand.u32 $0x7FFFFFFF, v29  }
0x125: {  	v32 =	vmul.f32 $8.262958320e-08, v38;
	v34 =	vadd.f32 $-8.802342990e+01, v26;
	v35 =	vmul.f32 $1.000000000e+01, v29  }
0x126: {  	v37 =	vand.u32 $0x7FFFFF, v18;
	v26 =	vadd.f32 $-1.000000000e+00, v24;
	v25 =	vsub.f32 v25, v16  }
.Ltmp1:
0x127: {  	v38 =	vmul.f32 $2.335083190e-01, v39;
	v29 =	vadd.f32 v34, v32;
	v32 =	vtrunc.f32 v35;
	(pc) =	sbr.rel @p0 .LBB2_5-.Ltmp1, $4  }
0x128: {  	v24 =	vadd.f32 $-1.000000000e+00, v31;
	v40 =	vmul.f32 $2.335083190e-01, v26;
	v41 =	vcvt.f32.s32 v32  }
0x129: {  	v34 =	vor.u32 $0x3F800000, v37;
	v35 =	vadd.f32 $-8.802342990e+01, v23;
	v23 =	vsub.f32 $2.225949910e-01, v38  }
0x12a: {  	v31 =	vmul.f32 $2.335083190e-01, v24;
	v32 =	vsub.f32 $2.225949910e-01, v40;
	v38 =	vshll.u32 v41, $0x4  }
0x12b: {  	v37 =	vmul.f32 $1.000000000e+01, v36;
	v36 =	vmul.f32 v23, v39;
	v23 =	vor.u32 v2, v38  }
0x12c: {  	v38 =	vsub.f32 v5, v15  }
0x12d: {  	v18 =	vcvt.s32.f32 v18;
	v21 =	vadd.f32 v35, v21;
	v27 =	vmul.f32 $8.262958320e-08, v27  }
0x12e: {  	v34 =	vadd.f32 $-1.000000000e+00, v34;
	v14 =	vcvt.s32.f32 v14;
	v17 =	vsub.f32 $1.000000000e+00, v17  }
0x12f: {  	v13 =	vsub.f32 v13, v15;
	v19 =	vsub.f32 $1.000000000e+00, v19;
	vm1 =	vgt.f32 v8, $0.0e+00  }
0x130: {  	v51 =	vsub.f32 $2.225949910e-01, v30;
	vm3 =	vmmov vm0;
	v28 =	vshll.u32 v28, $0x4  }
0x131: {  	vm2 =	vgt.f32 v6, $0.0e+00;
	v53 =	vsub.f32 $2.225949910e-01, v31;
	v57 =	vmul.f32 v32, v26  }
0x132: {  	vm15 =	vgt.f32 v5, $0.0e+00;
	v9 =	vmul.f32 v29, v9;
	v47 =	vmul.f32 $2.335083190e-01, v34  }
0x133: {  	v60 =	vmul.f32 $8.262958320e-08, v12;
	v46 =	vtrunc.f32 v37;
	v13 =	vand.u32 $0x7FFFFFFF, v13  }
0x134: {  	v35 =	vcvt.f32.s32 v46;
	v13 =	vmul.f32 $1.000000000e+01, v13;
	v49 =	vsub.f32 $2.225949910e-01, v47  }
0x135: {  	v36 =	vadd.f32 $-8.802342990e+01, v36;
	v54 =	vor.u32 v2, v28;
	v33 =	vmul.f32 v33, v38  }
0x136: {  	v35 =	vshll.u32 v35, $0x4;
	v13 =	vtrunc.f32 v13;
	v50 =	vmul.f32 v49, v34  }
0x137: {  	v21 =	vmul.f32 v21, v15;
	v48 =	vor.u32 v2, v35;
	v13 =	vcvt.f32.s32 v13  }
0x138: {  	v17 =	vmul.f32 v17, v17;
	v18 =	vmul.f32 $8.262958320e-08, v18;
	v8 =	vadd.f32 $-8.802342990e+01, v50  }
0x139: {  	[tilespmem:v23+s25+$0x0] =	vst.idx.add.f32.msk vm0, v1;
	v19 =	vmul.f32 v19, v19;
	v22 =	vmul.f32 v51, v22;
	v55 =	vshll.u32 v13, $0x4  }
0x13a: {  	v27 =	vadd.f32 v36, v27;
	v5 =	vor.u32 v2, v55;
	v52 =	vadd.f32 v8, v18  }
0x13b: {  	v14 =	vmul.f32 $8.262958320e-08, v14;
	v59 =	vadd.f32 $-8.802342990e+01, v57;
	[tilespmem:v54+s25+$0x0] =	vst.idx.add.f32.msk vm2, v1;
	v8 =	vmul.f32 v53, v24  }
0x13c: {  	v56 =	vadd.f32 $-8.802342990e+01, v22;
	v25 =	vmul.f32 v27, v25;
	[tilespmem:v48+s25+$0x0] =	vst.idx.add.f32.msk vm1, v1;
	v6 =	vmul.f32 v52, v16  }
0x13d: {  	v61 =	vmul.f32 v17, v17;
	v62 =	vadd.f32 v59, v60;
	[tilespmem:v48+s26+$0x0] =	vst.idx.add.f32.msk vm1, v9;
	v8 =	vadd.f32 $-8.802342990e+01, v8  }
0x13e: {  	v58 =	vadd.f32 v56, v20;
	v11 =	vmul.f32 v25, v11;
	[tilespmem:v23+s26+$0x0] =	vst.idx.add.f32.msk vm3, v6  }
0x13f: {  	s2 =	sadd.s32 $0x1, s2;
	v63 =	vmul.f32 v19, v19;
	v8 =	vadd.f32 v8, v14;
	[tilespmem:v5+s25+$0x0] =	vst.idx.add.f32.msk vm15, v1  }
0x140: {  	p0 =	sne.s32 s2, $0x8;
	v7 =	vmul.f32 v33, v7;
	v6 =	vmul.f32 v58, v10;
	[tilespmem:v23+s28+$0x0] =	vst.idx.add.f32.msk vm3, v11  }
.Ltmp2:
0x141: {  	v4 =	vmul.f32 v62, v4;
	[tilespmem:v5+s26+$0x0] =	vst.idx.add.f32.msk vm15, v21;
	v3 =	vmul.f32 v8, v3;
	(pc) =	sbr.rel @p0 .LBB2_2-.Ltmp2, $4  }
0x142: {  	v6 =	vmul.f32 v6, v61;
	[tilespmem:v5+s28+$0x0] =	vst.idx.add.f32.msk vm15, v7  }
0x143: {  	[tilespmem:v54+s26+$0x0] =	vst.idx.add.f32.msk vm2, v3;
	v3 =	vmul.f32 v4, v63  }
0x144: {  	[tilespmem:v48+s28+$0x0] =	vst.idx.add.f32.msk vm1, v6  }
0x145: {  	[tilespmem:v54+s28+$0x0] =	vst.idx.add.f32.msk vm2, v3  }
0x146: {  	[hbm4b:s13+s4] =	stream.linear.scatter [tilespmem:s25], [sflag:$0x3], $0xA0, $0x38;
	[tilespmem:$0x10300] =	vst v63  }
0x147: {  	_ =	swait.ge [sflag:s30], $0xA0  }
0x148: {  	[sflag:s30] =	ssyncset.done $0x0  }
0x149: {  	[sflag:s30] =	ssyncadd.s32 $0xFFFFFF60  }
0x14a: {  	[hbm4b:s14+s4] =	stream.linear.scatter [tilespmem:s26], [sflag:$0x3], $0xA0, $0x38;
	[tilespmem:$0x10300] =	vst v63  }
0x14b: {  	s31 =	sadd.s32 $0x1, s31;
	_ =	swait.ge [sflag:s30], $0xA0  }
0x14c: {  	p0 =	sne.s32 s31, s16;
	[sflag:s30] =	ssyncset.done $0x0  }
.Ltmp3:
0x14d: {  	[sflag:s30] =	ssyncadd.s32 $0xFFFFFF60;
	(pc) =	sbr.rel @p0 .LBB2_1-.Ltmp3, $4  }
0x14e: {  	[hbm4b:s15+s4] =	stream.linear.scatter [tilespmem:s28], [sflag:$0x3], $0xA0, $0x38;
	[tilespmem:$0x10300] =	vst v63  }
0x14f: {  	_ =	swait.ge [sflag:s30], $0xA0  }
0x150: {  	[sflag:s30] =	ssyncset.done $0x0  }
0x151: {  	[sflag:s30] =	ssyncadd.s32 $0xFFFFFF60  }
0x152: {  	_ =	sfence.sel $0x180000  }
0x153: {  	[bflag:$0x0] =	sbarrier.arrive $0xFFFF  }
0x154: {  	_ =	strace $0x90000047  }
0x155: {  	s0 =	stileid.u32;
	[bflag:$0x2] =	sbarrier.arrive $0xFFFF  }
0x156: {  	p0 =	sne.s32 s0, $0x0;
	s0 =	rddreg [dreg:$0x3]  }
0x157: {  	s0 =	sadd.s32 @!p0 $0x100000, s0  }
0x158: {  	[sflag:s0] =	ssyncadd.tile.s32 @!p0 $0x1;
	_ =	shalt  }
.Lfunc_end2:
_tile_overlayer_lowered:
.L_overlay_start_2:
0x159: {  	(tag) =	ssettag $0x2  }
0x15a: {  	s0 =	rddreg [dreg:$0x0];
	s2 =	stileid.u32  }
0x15b: {  	s1 =	rddreg [dreg:$0x1];
	p0 =	sne.s32 s2, $0x0  }
0x15c: {  	s3 =	rddreg [dreg:$0x2];
	[bflag:$0x3] =	sbarrier.arrive $0xFFFF;
	s2 =	simm.s32 @!p0 $0x1C03  }
0x15d: {  	[timem:s3], [sflag:s2] =	dma.local @!p0 [hbm:s0], s1  }
0x15e: {  	s0 =	simm.s32 @!p0 $0x3  }
0x15f: {  	_ =	swait.ge @!p0 [sflag:s0], s1  }
0x160: {  	s1 =	ssub.s32 @!p0 $0x0, s1;
	[sflag:s0] =	ssyncset.done @!p0 $0x0  }
0x161: {  	[sflag:s0] =	ssyncadd.s32 @!p0 s1  }
0x162: {  	[bflag:$0x3] =	sbarrier.arrive $0xFFFF  }
0x163: {  	_ =	shalt  }

</sc_bundles>
